<compile_context>
chip_gen: v7x
topology: tpu7x:2x2x1
jax: 0.10.2.dev20260603
libtpu: 0.0.44.dev20260713+nightly
codegen_flags: <defaults>
</compile_context>

<pallas_src>
import jax
import jax.numpy as jnp
from jax import lax
from jax.experimental import pallas as pl
from jax.experimental.pallas import tpu as pltpu
from jax.experimental.pallas import tpu_sc as plsc

N = 10000
D = 128
E = 320000
NC = 2
NS = 16
NW = NC * NS
EB = 128
NB = E // EB
T = NB // NW
TAIL = NB - NW * T
EPT = E // NW
NP = 10240
RP = NP // NS


def _sc_mesh():
    return plsc.VectorSubcoreMesh(core_axis_name="c", subcore_axis_name="s",
                                  num_cores=NC, num_subcores=NS)



def _deg_body(dst_hbm, out_hbm, hist_v, dbuf_v):
    c = lax.axis_index("c")
    s = lax.axis_index("s")
    w = s * NC + c
    zero16 = jnp.zeros((16,), jnp.float32)

    @pl.loop(0, N // 16)
    def _zero(i):
        hist_v[pl.ds(i * 16, 16)] = zero16

    pltpu.sync_copy(dst_hbm.at[pl.ds(w * EPT, EPT)], dbuf_v)
    ones16 = jnp.ones((16,), jnp.float32)

    @pl.loop(0, EPT // 16)
    def _scat(i):
        idx = dbuf_v[pl.ds(i * 16, 16)]
        plsc.addupdate_scatter(hist_v, [idx], ones16)

    pltpu.sync_copy(hist_v, out_hbm.at[w, 0])


def _make_deg(interpret=False):
    return pl.kernel(
        _deg_body,
        out_type=jax.ShapeDtypeStruct((NW, 1, N), jnp.float32),
        mesh=_sc_mesh(),
        scratch_types=[
            pltpu.VMEM((N,), jnp.float32),
            pltpu.VMEM((EPT,), jnp.int32),
        ],
        compiler_params=pltpu.CompilerParams(needs_layout_passes=False),
        interpret=interpret,
    )



def _segsum_body(xs_hbm, eidx_hbm, zeros_hbm, out_hbm,
                 acc, ibuf0, ibuf1, rows0, rows1,
                 gsem0, gsem1, ssem0, ssem1):
    c = lax.axis_index("c")
    s = lax.axis_index("s")
    w = s * NC + c

    pltpu.sync_copy(zeros_hbm, acc.at[pl.ds(s * RP, RP)])
    plsc.subcore_barrier()

    pltpu.sync_copy(eidx_hbm.at[w], ibuf0)
    pltpu.async_copy(xs_hbm.at[ibuf0.at[0]], rows0, gsem0)
    pltpu.sync_copy(eidx_hbm.at[w + NW], ibuf1)
    pltpu.async_copy(xs_hbm.at[ibuf1.at[0]], rows1, gsem1)

    @pl.loop(0, T // 2 - 1)
    def _pair(i):
        j0 = 2 * i
        pltpu.make_async_copy(xs_hbm.at[ibuf0.at[0]], rows0, gsem0).wait()
        sc0 = pltpu.async_copy(rows0, acc.at[ibuf0.at[1]], ssem0, add=True)
        pltpu.make_async_copy(xs_hbm.at[ibuf1.at[0]], rows1, gsem1).wait()
        sc1 = pltpu.async_copy(rows1, acc.at[ibuf1.at[1]], ssem1, add=True)
        sc0.wait()
        pltpu.sync_copy(eidx_hbm.at[w + (j0 + 2) * NW], ibuf0)
        pltpu.async_copy(xs_hbm.at[ibuf0.at[0]], rows0, gsem0)
        sc1.wait()
        pltpu.sync_copy(eidx_hbm.at[w + (j0 + 3) * NW], ibuf1)
        pltpu.async_copy(xs_hbm.at[ibuf1.at[0]], rows1, gsem1)

    pltpu.make_async_copy(xs_hbm.at[ibuf0.at[0]], rows0, gsem0).wait()
    sc0 = pltpu.async_copy(rows0, acc.at[ibuf0.at[1]], ssem0, add=True)
    pltpu.make_async_copy(xs_hbm.at[ibuf1.at[0]], rows1, gsem1).wait()
    sc1 = pltpu.async_copy(rows1, acc.at[ibuf1.at[1]], ssem1, add=True)
    sc0.wait()
    sc1.wait()

    @pl.when(w < TAIL)
    def _tail():
        pltpu.sync_copy(eidx_hbm.at[NW * T + w], ibuf0)
        pltpu.async_copy(xs_hbm.at[ibuf0.at[0]], rows0, gsem0).wait()
        pltpu.sync_copy(rows0, acc.at[ibuf0.at[1]], add=True)

    plsc.subcore_barrier()
    pltpu.sync_copy(acc.at[pl.ds(s * RP, RP)],
                    out_hbm.at[c, pl.ds(s * RP, RP)])


def _make_segsum(interpret=False):
    return pl.kernel(
        _segsum_body,
        out_type=jax.ShapeDtypeStruct((NC, NP, D), jnp.float32),
        mesh=_sc_mesh(),
        scratch_types=[
            pltpu.VMEM_SHARED((NP, D), jnp.float32),
            pltpu.VMEM((2, EB), jnp.int32),
            pltpu.VMEM((2, EB), jnp.int32),
            pltpu.VMEM((EB, D), jnp.float32),
            pltpu.VMEM((EB, D), jnp.float32),
            pltpu.SemaphoreType.DMA,
            pltpu.SemaphoreType.DMA,
            pltpu.SemaphoreType.DMA,
            pltpu.SemaphoreType.DMA,
        ],
        interpret=interpret,
    )


_lazy = {}


def _deg_hist(*args):
    if "deg" not in _lazy:
        _lazy["deg"] = _make_deg()
    return _lazy["deg"](*args)


def _segsum(*args):
    if "seg" not in _lazy:
        _lazy["seg"] = _make_segsum()
    return _lazy["seg"](*args)



def _prep_body(hist_ref, x_ref, w1_ref, xs_ref, dinv_ref):
    ones = jnp.ones((NW, 1), jnp.float32)
    deg_col = lax.dot_general(hist_ref[...], ones, (((0,), (0,)), ((), ())),
                              precision=lax.Precision.HIGHEST)
    dinv = lax.rsqrt(deg_col + 1.0)
    dinv_ref[...] = dinv
    xw = jnp.dot(x_ref[...], w1_ref[...], preferred_element_type=jnp.float32)
    xs_ref[...] = xw * dinv


def _prep(hist, x, W1):
    return pl.pallas_call(
        _prep_body,
        out_shape=(jax.ShapeDtypeStruct((N, D), jnp.float32),
                   jax.ShapeDtypeStruct((N, 1), jnp.float32)),
    )(hist, x, W1)


def _mid_body(p_ref, xs_ref, dinv_ref, b1_ref, g1_ref, be1_ref, w2_ref,
              xs2_ref):
    dinv = dinv_ref[...]
    ps = lax.slice(p_ref[0] + p_ref[1], (0, 0), (N, D))
    h = (ps + xs_ref[...]) * dinv + b1_ref[...]
    mean = jnp.mean(h, axis=0)
    hc = h - mean
    var = jnp.mean(hc * hc, axis=0)
    h = hc * lax.rsqrt(var + 1e-5) * g1_ref[...] + be1_ref[...]
    h = jnp.maximum(h, 0.0)
    xs2_ref[...] = jnp.dot(h, w2_ref[...],
                           preferred_element_type=jnp.float32) * dinv


def _mid(p1, xs1, dinv, b1, g1, be1, W2):
    return pl.pallas_call(
        _mid_body,
        out_shape=jax.ShapeDtypeStruct((N, D), jnp.float32),
    )(p1, xs1, dinv, b1, g1, be1, W2)


def _fin_body(p_ref, xs2_ref, dinv_ref, b2_ref, g2_ref, be2_ref, o_ref):
    ps = lax.slice(p_ref[0] + p_ref[1], (0, 0), (N, D))
    h = (ps + xs2_ref[...]) * dinv_ref[...] + b2_ref[...]
    mean = jnp.mean(h, axis=0)
    hc = h - mean
    var = jnp.mean(hc * hc, axis=0)
    o_ref[...] = hc * lax.rsqrt(var + 1e-5) * g2_ref[...] + be2_ref[...]


def _fin(p2, xs2, dinv, b2, g2, be2):
    return pl.pallas_call(
        _fin_body,
        out_shape=jax.ShapeDtypeStruct((N, D), jnp.float32),
    )(p2, xs2, dinv, b2, g2, be2)



@jax.jit
def kernel(x, edge_index, W1, b1, g1, be1, W2, b2, g2, be2):
    ei = edge_index.astype(jnp.int32)
    eidx = jnp.stack([ei[0].reshape(NB, EB), ei[1].reshape(NB, EB)], axis=1)
    zeros = jnp.zeros((RP, D), jnp.float32)

    hist = _deg_hist(ei[1]).reshape(NW, N)
    xs1, dinv = _prep(hist, x, W1)
    p1 = _segsum(xs1, eidx, zeros)
    xs2 = _mid(p1, xs1, dinv, b1, g1, be1, W2)
    p2 = _segsum(xs2, eidx, zeros)
    return _fin(p2, xs2, dinv, b2, g2, be2)

# --- scband reference (transcript-rebuilt; emitter-appended) ---
"""Pipeline reference for scband-gnn-encoder-33182917328954 (READ-ONLY COPY).

The authoritative reference and input builder live on the scoring server;
editing this copy changes nothing except your own understanding.
"""

import jax, jax.numpy as jnp
import numpy as np

N_NODES = 10000
D_FEAT = 128
D_HID = 128
D_OUT = 128
N_EDGES = 320000


def setup_inputs(seed: int = 0) -> dict:
    key = jax.random.key(seed)
    ks = jax.random.split(key, 12)
    x = jax.random.normal(ks[0], (N_NODES, D_FEAT), dtype=jnp.float32)
    edge_index = jax.random.randint(ks[1], (2, N_EDGES), 0, N_NODES, dtype=jnp.int64)
    s1 = 1.0 / np.sqrt(D_FEAT)
    s2 = 1.0 / np.sqrt(D_HID)
    W1 = jax.random.uniform(ks[2], (D_FEAT, D_HID), dtype=jnp.float32, minval=-s1, maxval=s1)
    b1 = jnp.zeros((D_HID,), dtype=jnp.float32)
    g1 = jnp.ones((D_HID,), dtype=jnp.float32)
    be1 = jnp.zeros((D_HID,), dtype=jnp.float32)
    W2 = jax.random.uniform(ks[3], (D_HID, D_OUT), dtype=jnp.float32, minval=-s2, maxval=s2)
    b2 = jnp.zeros((D_OUT,), dtype=jnp.float32)
    g2 = jnp.ones((D_OUT,), dtype=jnp.float32)
    be2 = jnp.zeros((D_OUT,), dtype=jnp.float32)
    return {"x": x, "edge_index": edge_index, "W1": W1, "b1": b1, "g1": g1, "be1": be1,
            "W2": W2, "b2": b2, "g2": g2, "be2": be2}


def _gcn_conv(x, edge_index, W, b, num_nodes):
    src = edge_index[0]
    dst = edge_index[1]
    loop = jnp.arange(num_nodes, dtype=src.dtype)
    src = jnp.concatenate([src, loop])
    dst = jnp.concatenate([dst, loop])
    w = jnp.ones(src.shape[0], dtype=x.dtype)
    deg = jax.ops.segment_sum(w, dst, num_segments=num_nodes)
    dinv = jnp.where(deg > 0, deg ** -0.5, 0.0)
    norm = dinv[src] * w * dinv[dst]
    xw = x @ W
    msg = jnp.take(xw, src, axis=0) * norm[:, None]
    out = jax.ops.segment_sum(msg, dst, num_segments=num_nodes)
    return out + b


def _batchnorm(x, gamma, beta, eps=1e-5):
    mean = jnp.mean(x, axis=0)
    var = jnp.var(x, axis=0)
    return (x - mean) / jnp.sqrt(var + eps) * gamma + beta


def reference(x, edge_index, W1, b1, g1, be1, W2, b2, g2, be2):
    # GCN layer 1 + internal BN + ReLU (dropout p=0.0 -> identity)
    h = _gcn_conv(x, edge_index, W1, b1, N_NODES)
    h = _batchnorm(h, g1, be1)
    h = jax.nn.relu(h)
    # GCN layer 2 (output layer)
    h = _gcn_conv(h, edge_index, W2, b2, N_NODES)
    # final encoder BatchNorm1d (training-mode batch stats)
    out = _batchnorm(h, g2, be2)
    return out

if __name__ == "__main__":
    import jax
    _d = setup_inputs()
    print(jax.jit(kernel)(*tuple(_d.values())))

</pallas_src>

<mosaic_0001>
#map = affine_map<(d0, d1) -> (0)>
#map1 = affine_map<(d0, d1) -> (0, 0, 0)>
module attributes {stable_mosaic.version = 14 : i64} {
  func.func @_deg_body(%arg0: i32, %arg1: i32, %arg2: memref<320000xi32, #tpu.memory_space<hbm>>, %arg3: memref<32x1x10000xf32, #tpu.memory_space<hbm>>, %arg4: memref<10000xf32, #tpu.memory_space<vmem>>, %arg5: memref<10000xi32, #tpu.memory_space<vmem>>) attributes {dimension_semantics = [#tpu.dimension_semantics<core_parallel>, #tpu.dimension_semantics<subcore_parallel>], iteration_bounds = array<i64: 2, 16>, scalar_prefetch = 0 : i64, scratch_operands = 2 : i64, tpu.core_type = #tpu.core_type<sc_vector_subcore>, window_params = [{transform_indices = #map}, {transform_indices = #map1}]} {
    %mul3A = arith.constant 2 : i32
    %mul3A_0 = arith.muli %arg1, %mul3A : i32
    %add3A = arith.addi %mul3A_0, %arg0 : i32
    %broadcast_in_dim3A = arith.constant 0.000000e+00 : f32
    %broadcast_in_dim3A_1 = vector.broadcast %broadcast_in_dim3A : f32 to vector<16xf32>
    %scan3A = arith.constant 0 : i32
    %scan3A_2 = arith.constant 625 : i32
    %scan3A_3 = arith.addi %scan3A, %scan3A_2 : i32
    %scan3A_4 = arith.constant 1 : i32
    scf.for %scan3A_15 = %scan3A to %scan3A_3 step %scan3A_4  : i32 {
      %mul3A_16 = arith.constant 1 : i32
      %mul3A_17 = arith.muli %scan3A_15, %mul3A_16 : i32
      %add3A_18 = arith.constant 0 : i32
      %add3A_19 = arith.addi %add3A_18, %mul3A_17 : i32
      %mul3A_20 = arith.constant 16 : i32
      %mul3A_21 = arith.muli %add3A_19, %mul3A_20 : i32
      %swap3A = arith.index_cast %mul3A_21 : i32 to index
      %swap3A_22 = tpu.vector_load %arg4[%swap3A] {strides = array<i32>} : memref<10000xf32, #tpu.memory_space<vmem>>, vector<16xf32>,
      tpu.vector_store %arg4[%swap3A], %broadcast_in_dim3A_1 {strides = array<i32>} : memref<10000xf32, #tpu.memory_space<vmem>>, vector<16xf32>,
    }
    %scan3A_5 = arith.constant 625 : i32
    %mul3A_6 = arith.constant 10000 : i32
    %mul3A_7 = arith.muli %add3A, %mul3A_6 : i32
    "tpu.region"() ({
      %run_scoped3A_15 = tpu.sem_alloc : memref<!tpu.dma_semaphore, #tpu.memory_space<semaphore_mem>>
      %dma_start3A = tpu.memref_slice %arg2[%mul3A_7] : memref<320000xi32, #tpu.memory_space<hbm>> -> memref<10000xi32, #tpu.memory_space<hbm>>
      %dma_start3A_16 = tpu.memref_slice %arg2[%mul3A_7] : memref<320000xi32, #tpu.memory_space<hbm>> -> memref<10000xi32, #tpu.memory_space<hbm>>
      tpu.enqueue_dma source(%dma_start3A_16 : memref<10000xi32, #tpu.memory_space<hbm>>) target(%arg5 : memref<10000xi32, #tpu.memory_space<vmem>>) target_semaphore(%run_scoped3A_15 : memref<!tpu.dma_semaphore, #tpu.memory_space<semaphore_mem>>)
      %dma_wait3A = tpu.memref_slice %arg2[%mul3A_7] : memref<320000xi32, #tpu.memory_space<hbm>> -> memref<10000xi32, #tpu.memory_space<hbm>>
      %dma_wait3A_17 = tpu.memref_slice %arg2[%mul3A_7] : memref<320000xi32, #tpu.memory_space<hbm>> -> memref<10000xi32, #tpu.memory_space<hbm>>
      tpu.wait_dma2 semaphore(%run_scoped3A_15 : memref<!tpu.dma_semaphore, #tpu.memory_space<semaphore_mem>>) src(%dma_wait3A_17 : memref<10000xi32, #tpu.memory_space<hbm>>) dst(%arg5 : memref<10000xi32, #tpu.memory_space<vmem>>)
      tpu.yield
    }) : () -> ()
    %broadcast_in_dim3A_8 = arith.constant 1.000000e+00 : f32
    %broadcast_in_dim3A_9 = vector.broadcast %broadcast_in_dim3A_8 : f32 to vector<16xf32>
    %scan3A_10 = arith.constant 0 : i32
    %scan3A_11 = arith.constant 625 : i32
    %scan3A_12 = arith.addi %scan3A_10, %scan3A_11 : i32
    %scan3A_13 = arith.constant 1 : i32
    scf.for %scan3A_15 = %scan3A_10 to %scan3A_12 step %scan3A_13  : i32 {
      %mul3A_16 = arith.constant 1 : i32
      %mul3A_17 = arith.muli %scan3A_15, %mul3A_16 : i32
      %add3A_18 = arith.constant 0 : i32
      %add3A_19 = arith.addi %add3A_18, %mul3A_17 : i32
      %mul3A_20 = arith.constant 16 : i32
      %mul3A_21 = arith.muli %add3A_19, %mul3A_20 : i32
      %get3A = arith.index_cast %mul3A_21 : i32 to index
      %get3A_22 = tpu.vector_load %arg5[%get3A] {strides = array<i32>} : memref<10000xi32, #tpu.memory_space<vmem>>, vector<16xi32>,
      tpu.vector_store_idx %arg4[%get3A_22], %broadcast_in_dim3A_9 {add = true} : memref<10000xf32, #tpu.memory_space<vmem>>[vector<16xi32>], vector<16xf32>,
    }
    %scan3A_14 = arith.constant 625 : i32
    %run_scoped3A = arith.constant 0 : i32
    "tpu.region"() ({
      %run_scoped3A_15 = tpu.sem_alloc : memref<!tpu.dma_semaphore, #tpu.memory_space<semaphore_mem>>
      %dma_start3A = arith.constant 0 : i32
      %dma_start3A_16 = tpu.memref_slice %arg3[%add3A, %run_scoped3A, %dma_start3A] : memref<32x1x10000xf32, #tpu.memory_space<hbm>> -> memref<1x1x10000xf32, #tpu.memory_space<hbm>>
      %dma_start3A_17 = tpu.memref_squeeze %dma_start3A_16 : memref<1x1x10000xf32, #tpu.memory_space<hbm>> -> memref<10000xf32, #tpu.memory_space<hbm>>
      %dma_start3A_18 = arith.constant 0 : i32
      %dma_start3A_19 = tpu.memref_slice %arg3[%add3A, %run_scoped3A, %dma_start3A_18] : memref<32x1x10000xf32, #tpu.memory_space<hbm>> -> memref<1x1x10000xf32, #tpu.memory_space<hbm>>
      %dma_start3A_20 = tpu.memref_squeeze %dma_start3A_19 : memref<1x1x10000xf32, #tpu.memory_space<hbm>> -> memref<10000xf32, #tpu.memory_space<hbm>>
      tpu.enqueue_dma source(%arg4 : memref<10000xf32, #tpu.memory_space<vmem>>) target(%dma_start3A_20 : memref<10000xf32, #tpu.memory_space<hbm>>) target_semaphore(%run_scoped3A_15 : memref<!tpu.dma_semaphore, #tpu.memory_space<semaphore_mem>>)
      %dma_wait3A = arith.constant 0 : i32
      %dma_wait3A_21 = tpu.memref_slice %arg3[%add3A, %run_scoped3A, %dma_wait3A] : memref<32x1x10000xf32, #tpu.memory_space<hbm>> -> memref<1x1x10000xf32, #tpu.memory_space<hbm>>
      %dma_wait3A_22 = tpu.memref_squeeze %dma_wait3A_21 : memref<1x1x10000xf32, #tpu.memory_space<hbm>> -> memref<10000xf32, #tpu.memory_space<hbm>>
      %dma_wait3A_23 = arith.constant 0 : i32
      %dma_wait3A_24 = tpu.memref_slice %arg3[%add3A, %run_scoped3A, %dma_wait3A_23] : memref<32x1x10000xf32, #tpu.memory_space<hbm>> -> memref<1x1x10000xf32, #tpu.memory_space<hbm>>
      %dma_wait3A_25 = tpu.memref_squeeze %dma_wait3A_24 : memref<1x1x10000xf32, #tpu.memory_space<hbm>> -> memref<10000xf32, #tpu.memory_space<hbm>>
      tpu.wait_dma2 semaphore(%run_scoped3A_15 : memref<!tpu.dma_semaphore, #tpu.memory_space<semaphore_mem>>) src(%arg4 : memref<10000xf32, #tpu.memory_space<vmem>>) dst(%dma_wait3A_25 : memref<10000xf32, #tpu.memory_space<hbm>>)
      tpu.yield
    }) : () -> ()
    return
  }
}

#map = affine_map<(d0, d1) -> (0, 0)>
#map1 = affine_map<(d0, d1) -> (0, 0, 0)>
module attributes {stable_mosaic.version = 14 : i64} {
  func.func @_segsum_body(%arg0: i32, %arg1: i32, %arg2: memref<10000x128xf32, #tpu.memory_space<hbm>>, %arg3: memref<2500x2x128xi32, #tpu.memory_space<hbm>>, %arg4: memref<640x128xf32, #tpu.memory_space<hbm>>, %arg5: memref<2x10240x128xf32, #tpu.memory_space<hbm>>, %arg6: memref<10240x128xf32, #tpu.memory_space<vmem_shared>>, %arg7: memref<2x128xi32, #tpu.memory_space<vmem>>, %arg8: memref<2x128xi32, #tpu.memory_space<vmem>>, %arg9: memref<128x128xf32, #tpu.memory_space<vmem>>, %arg10: memref<128x128xf32, #tpu.memory_space<vmem>>, %arg11: memref<!tpu.dma_semaphore, #tpu.memory_space<semaphore_mem>>, %arg12: memref<!tpu.dma_semaphore, #tpu.memory_space<semaphore_mem>>, %arg13: memref<!tpu.dma_semaphore, #tpu.memory_space<semaphore_mem>>, %arg14: memref<!tpu.dma_semaphore, #tpu.memory_space<semaphore_mem>>) attributes {dimension_semantics = [#tpu.dimension_semantics<core_parallel>, #tpu.dimension_semantics<subcore_parallel>], iteration_bounds = array<i64: 2, 16>, scalar_prefetch = 0 : i64, scratch_operands = 9 : i64, tpu.core_type = #tpu.core_type<sc_vector_subcore>, window_params = [{transform_indices = #map}, {transform_indices = #map1}, {transform_indices = #map}, {transform_indices = #map1}]} {
    %mul3A = arith.constant 2 : i32
    %mul3A_0 = arith.muli %arg1, %mul3A : i32
    %add3A = arith.addi %mul3A_0, %arg0 : i32
    %mul3A_1 = arith.constant 640 : i32
    %mul3A_2 = arith.muli %arg1, %mul3A_1 : i32
    "tpu.region"() ({
      %run_scoped3A = tpu.sem_alloc : memref<!tpu.dma_semaphore, #tpu.memory_space<semaphore_mem>>
      %dma_start3A_70 = arith.constant 0 : i32
      %dma_start3A_71 = tpu.memref_slice %arg6[%mul3A_2, %dma_start3A_70] : memref<10240x128xf32, #tpu.memory_space<vmem_shared>> -> memref<640x128xf32, #tpu.memory_space<vmem_shared>>
      tpu.enqueue_dma source(%arg4 : memref<640x128xf32, #tpu.memory_space<hbm>>) target(%dma_start3A_71 : memref<640x128xf32, #tpu.memory_space<vmem_shared>>) target_semaphore(%run_scoped3A : memref<!tpu.dma_semaphore, #tpu.memory_space<semaphore_mem>>)
      %dma_wait3A_72 = arith.constant 0 : i32
      %dma_wait3A_73 = tpu.memref_slice %arg6[%mul3A_2, %dma_wait3A_72] : memref<10240x128xf32, #tpu.memory_space<vmem_shared>> -> memref<640x128xf32, #tpu.memory_space<vmem_shared>>
      tpu.wait_dma2 semaphore(%run_scoped3A : memref<!tpu.dma_semaphore, #tpu.memory_space<semaphore_mem>>) src(%arg4 : memref<640x128xf32, #tpu.memory_space<hbm>>) dst(%dma_wait3A_73 : memref<640x128xf32, #tpu.memory_space<vmem_shared>>)
      tpu.yield
    }) : () -> ()
    %barrier3A = arith.constant 0 : index
    tpu.barrier barrier_id(%barrier3A)
    "tpu.region"() ({
      %run_scoped3A = tpu.sem_alloc : memref<!tpu.dma_semaphore, #tpu.memory_space<semaphore_mem>>
      %dma_start3A_70 = arith.constant 0 : i32
      %dma_start3A_71 = arith.constant 0 : i32
      %dma_start3A_72 = tpu.memref_slice %arg3[%add3A, %dma_start3A_70, %dma_start3A_71] : memref<2500x2x128xi32, #tpu.memory_space<hbm>> -> memref<1x2x128xi32, #tpu.memory_space<hbm>>
      %dma_start3A_73 = tpu.memref_squeeze %dma_start3A_72 : memref<1x2x128xi32, #tpu.memory_space<hbm>> -> memref<2x128xi32, #tpu.memory_space<hbm>>
      %dma_start3A_74 = arith.constant 0 : i32
      %dma_start3A_75 = arith.constant 0 : i32
      %dma_start3A_76 = tpu.memref_slice %arg3[%add3A, %dma_start3A_74, %dma_start3A_75] : memref<2500x2x128xi32, #tpu.memory_space<hbm>> -> memref<1x2x128xi32, #tpu.memory_space<hbm>>
      %dma_start3A_77 = tpu.memref_squeeze %dma_start3A_76 : memref<1x2x128xi32, #tpu.memory_space<hbm>> -> memref<2x128xi32, #tpu.memory_space<hbm>>
      tpu.enqueue_dma source(%dma_start3A_77 : memref<2x128xi32, #tpu.memory_space<hbm>>) target(%arg7 : memref<2x128xi32, #tpu.memory_space<vmem>>) target_semaphore(%run_scoped3A : memref<!tpu.dma_semaphore, #tpu.memory_space<semaphore_mem>>)
      %dma_wait3A_78 = arith.constant 0 : i32
      %dma_wait3A_79 = arith.constant 0 : i32
      %dma_wait3A_80 = tpu.memref_slice %arg3[%add3A, %dma_wait3A_78, %dma_wait3A_79] : memref<2500x2x128xi32, #tpu.memory_space<hbm>> -> memref<1x2x128xi32, #tpu.memory_space<hbm>>
      %dma_wait3A_81 = tpu.memref_squeeze %dma_wait3A_80 : memref<1x2x128xi32, #tpu.memory_space<hbm>> -> memref<2x128xi32, #tpu.memory_space<hbm>>
      %dma_wait3A_82 = arith.constant 0 : i32
      %dma_wait3A_83 = arith.constant 0 : i32
      %dma_wait3A_84 = tpu.memref_slice %arg3[%add3A, %dma_wait3A_82, %dma_wait3A_83] : memref<2500x2x128xi32, #tpu.memory_space<hbm>> -> memref<1x2x128xi32, #tpu.memory_space<hbm>>
      %dma_wait3A_85 = tpu.memref_squeeze %dma_wait3A_84 : memref<1x2x128xi32, #tpu.memory_space<hbm>> -> memref<2x128xi32, #tpu.memory_space<hbm>>
      tpu.wait_dma2 semaphore(%run_scoped3A : memref<!tpu.dma_semaphore, #tpu.memory_space<semaphore_mem>>) src(%dma_wait3A_85 : memref<2x128xi32, #tpu.memory_space<hbm>>) dst(%arg7 : memref<2x128xi32, #tpu.memory_space<vmem>>)
      tpu.yield
    }) : () -> ()
    %dma_start3A = arith.constant 0 : i32
    %dma_start3A_3 = arith.constant 0 : i32
    %dma_start3A_4 = tpu.memref_slice %arg7[%dma_start3A, %dma_start3A_3] : memref<2x128xi32, #tpu.memory_space<vmem>> -> memref<1x128xi32, #tpu.memory_space<vmem>>
    %dma_start3A_5 = tpu.memref_squeeze %dma_start3A_4 : memref<1x128xi32, #tpu.memory_space<vmem>> -> memref<128xi32, #tpu.memory_space<vmem>>
    %dma_start3A_6 = arith.constant 0 : i32
    %dma_start3A_7 = arith.constant 0 : i32
    %dma_start3A_8 = tpu.memref_slice %arg2[%dma_start3A_6, %dma_start3A_7] : memref<10000x128xf32, #tpu.memory_space<hbm>> -> memref<10000x128xf32, #tpu.memory_space<hbm>>
    tpu.enqueue_indirect_dma source(%dma_start3A_8 : memref<10000x128xf32, #tpu.memory_space<hbm>>) target(%arg9 : memref<128x128xf32, #tpu.memory_space<vmem>>) offsets(%dma_start3A_5 : memref<128xi32, #tpu.memory_space<vmem>>) semaphore(%arg11 : memref<!tpu.dma_semaphore, #tpu.memory_space<semaphore_mem>>)
    %add3A_9 = arith.constant 32 : i32
    %add3A_10 = arith.addi %add3A, %add3A_9 : i32
    "tpu.region"() ({
      %run_scoped3A = tpu.sem_alloc : memref<!tpu.dma_semaphore, #tpu.memory_space<semaphore_mem>>
      %dma_start3A_70 = arith.constant 0 : i32
      %dma_start3A_71 = arith.constant 0 : i32
      %dma_start3A_72 = tpu.memref_slice %arg3[%add3A_10, %dma_start3A_70, %dma_start3A_71] : memref<2500x2x128xi32, #tpu.memory_space<hbm>> -> memref<1x2x128xi32, #tpu.memory_space<hbm>>
      %dma_start3A_73 = tpu.memref_squeeze %dma_start3A_72 : memref<1x2x128xi32, #tpu.memory_space<hbm>> -> memref<2x128xi32, #tpu.memory_space<hbm>>
      %dma_start3A_74 = arith.constant 0 : i32
      %dma_start3A_75 = arith.constant 0 : i32
      %dma_start3A_76 = tpu.memref_slice %arg3[%add3A_10, %dma_start3A_74, %dma_start3A_75] : memref<2500x2x128xi32, #tpu.memory_space<hbm>> -> memref<1x2x128xi32, #tpu.memory_space<hbm>>
      %dma_start3A_77 = tpu.memref_squeeze %dma_start3A_76 : memref<1x2x128xi32, #tpu.memory_space<hbm>> -> memref<2x128xi32, #tpu.memory_space<hbm>>
      tpu.enqueue_dma source(%dma_start3A_77 : memref<2x128xi32, #tpu.memory_space<hbm>>) target(%arg8 : memref<2x128xi32, #tpu.memory_space<vmem>>) target_semaphore(%run_scoped3A : memref<!tpu.dma_semaphore, #tpu.memory_space<semaphore_mem>>)
      %dma_wait3A_78 = arith.constant 0 : i32
      %dma_wait3A_79 = arith.constant 0 : i32
      %dma_wait3A_80 = tpu.memref_slice %arg3[%add3A_10, %dma_wait3A_78, %dma_wait3A_79] : memref<2500x2x128xi32, #tpu.memory_space<hbm>> -> memref<1x2x128xi32, #tpu.memory_space<hbm>>
      %dma_wait3A_81 = tpu.memref_squeeze %dma_wait3A_80 : memref<1x2x128xi32, #tpu.memory_space<hbm>> -> memref<2x128xi32, #tpu.memory_space<hbm>>
      %dma_wait3A_82 = arith.constant 0 : i32
      %dma_wait3A_83 = arith.constant 0 : i32
      %dma_wait3A_84 = tpu.memref_slice %arg3[%add3A_10, %dma_wait3A_82, %dma_wait3A_83] : memref<2500x2x128xi32, #tpu.memory_space<hbm>> -> memref<1x2x128xi32, #tpu.memory_space<hbm>>
      %dma_wait3A_85 = tpu.memref_squeeze %dma_wait3A_84 : memref<1x2x128xi32, #tpu.memory_space<hbm>> -> memref<2x128xi32, #tpu.memory_space<hbm>>
      tpu.wait_dma2 semaphore(%run_scoped3A : memref<!tpu.dma_semaphore, #tpu.memory_space<semaphore_mem>>) src(%dma_wait3A_85 : memref<2x128xi32, #tpu.memory_space<hbm>>) dst(%arg8 : memref<2x128xi32, #tpu.memory_space<vmem>>)
      tpu.yield
    }) : () -> ()
    %dma_start3A_11 = arith.constant 0 : i32
    %dma_start3A_12 = arith.constant 0 : i32
    %dma_start3A_13 = tpu.memref_slice %arg8[%dma_start3A_11, %dma_start3A_12] : memref<2x128xi32, #tpu.memory_space<vmem>> -> memref<1x128xi32, #tpu.memory_space<vmem>>
    %dma_start3A_14 = tpu.memref_squeeze %dma_start3A_13 : memref<1x128xi32, #tpu.memory_space<vmem>> -> memref<128xi32, #tpu.memory_space<vmem>>
    %dma_start3A_15 = arith.constant 0 : i32
    %dma_start3A_16 = arith.constant 0 : i32
    %dma_start3A_17 = tpu.memref_slice %arg2[%dma_start3A_15, %dma_start3A_16] : memref<10000x128xf32, #tpu.memory_space<hbm>> -> memref<10000x128xf32, #tpu.memory_space<hbm>>
    tpu.enqueue_indirect_dma source(%dma_start3A_17 : memref<10000x128xf32, #tpu.memory_space<hbm>>) target(%arg10 : memref<128x128xf32, #tpu.memory_space<vmem>>) offsets(%dma_start3A_14 : memref<128xi32, #tpu.memory_space<vmem>>) semaphore(%arg12 : memref<!tpu.dma_semaphore, #tpu.memory_space<semaphore_mem>>)
    %scan3A = arith.constant 0 : i32
    %scan3A_18 = arith.constant 38 : i32
    %scan3A_19 = arith.addi %scan3A, %scan3A_18 : i32
    %scan3A_20 = arith.constant 1 : i32
    scf.for %scan3A_70 = %scan3A to %scan3A_19 step %scan3A_20  : i32 {
      %mul3A_71 = arith.constant 1 : i32
      %mul3A_72 = arith.muli %scan3A_70, %mul3A_71 : i32
      %add3A_73 = arith.constant 0 : i32
      %add3A_74 = arith.addi %add3A_73, %mul3A_72 : i32
      %mul3A_75 = arith.constant 2 : i32
      %mul3A_76 = arith.muli %mul3A_75, %add3A_74 : i32
      %dma_wait3A_77 = arith.constant 0 : i32
      %dma_wait3A_78 = arith.constant 0 : i32
      %dma_wait3A_79 = tpu.memref_slice %arg7[%dma_wait3A_77, %dma_wait3A_78] : memref<2x128xi32, #tpu.memory_space<vmem>> -> memref<1x128xi32, #tpu.memory_space<vmem>>
      %dma_wait3A_80 = tpu.memref_squeeze %dma_wait3A_79 : memref<1x128xi32, #tpu.memory_space<vmem>> -> memref<128xi32, #tpu.memory_space<vmem>>
      %dma_wait3A_81 = arith.constant 0 : i32
      %dma_wait3A_82 = arith.constant 0 : i32
      %dma_wait3A_83 = tpu.memref_slice %arg2[%dma_wait3A_81, %dma_wait3A_82] : memref<10000x128xf32, #tpu.memory_space<hbm>> -> memref<10000x128xf32, #tpu.memory_space<hbm>>
      tpu.wait_indirect_dma semaphore(%arg11 : memref<!tpu.dma_semaphore, #tpu.memory_space<semaphore_mem>>) src(%dma_wait3A_83 : memref<10000x128xf32, #tpu.memory_space<hbm>>) dst(%arg9 : memref<128x128xf32, #tpu.memory_space<vmem>>)
      %dma_start3A_84 = arith.constant 1 : i32
      %dma_start3A_85 = arith.constant 0 : i32
      %dma_start3A_86 = tpu.memref_slice %arg7[%dma_start3A_84, %dma_start3A_85] : memref<2x128xi32, #tpu.memory_space<vmem>> -> memref<1x128xi32, #tpu.memory_space<vmem>>
      %dma_start3A_87 = tpu.memref_squeeze %dma_start3A_86 : memref<1x128xi32, #tpu.memory_space<vmem>> -> memref<128xi32, #tpu.memory_space<vmem>>
      %dma_start3A_88 = arith.constant 0 : i32
      %dma_start3A_89 = arith.constant 0 : i32
      %dma_start3A_90 = tpu.memref_slice %arg6[%dma_start3A_88, %dma_start3A_89] : memref<10240x128xf32, #tpu.memory_space<vmem_shared>> -> memref<10240x128xf32, #tpu.memory_space<vmem_shared>>
      tpu.enqueue_indirect_dma source(%arg9 : memref<128x128xf32, #tpu.memory_space<vmem>>) target(%dma_start3A_90 : memref<10240x128xf32, #tpu.memory_space<vmem_shared>>) offsets(%dma_start3A_87 : memref<128xi32, #tpu.memory_space<vmem>>) semaphore(%arg13 : memref<!tpu.dma_semaphore, #tpu.memory_space<semaphore_mem>>) {add = true}
      %dma_wait3A_91 = arith.constant 0 : i32
      %dma_wait3A_92 = arith.constant 0 : i32
      %dma_wait3A_93 = tpu.memref_slice %arg8[%dma_wait3A_91, %dma_wait3A_92] : memref<2x128xi32, #tpu.memory_space<vmem>> -> memref<1x128xi32, #tpu.memory_space<vmem>>
      %dma_wait3A_94 = tpu.memref_squeeze %dma_wait3A_93 : memref<1x128xi32, #tpu.memory_space<vmem>> -> memref<128xi32, #tpu.memory_space<vmem>>
      %dma_wait3A_95 = arith.constant 0 : i32
      %dma_wait3A_96 = arith.constant 0 : i32
      %dma_wait3A_97 = tpu.memref_slice %arg2[%dma_wait3A_95, %dma_wait3A_96] : memref<10000x128xf32, #tpu.memory_space<hbm>> -> memref<10000x128xf32, #tpu.memory_space<hbm>>
      tpu.wait_indirect_dma semaphore(%arg12 : memref<!tpu.dma_semaphore, #tpu.memory_space<semaphore_mem>>) src(%dma_wait3A_97 : memref<10000x128xf32, #tpu.memory_space<hbm>>) dst(%arg10 : memref<128x128xf32, #tpu.memory_space<vmem>>)
      %dma_start3A_98 = arith.constant 1 : i32
      %dma_start3A_99 = arith.constant 0 : i32
      %dma_start3A_100 = tpu.memref_slice %arg8[%dma_start3A_98, %dma_start3A_99] : memref<2x128xi32, #tpu.memory_space<vmem>> -> memref<1x128xi32, #tpu.memory_space<vmem>>
      %dma_start3A_101 = tpu.memref_squeeze %dma_start3A_100 : memref<1x128xi32, #tpu.memory_space<vmem>> -> memref<128xi32, #tpu.memory_space<vmem>>
      %dma_start3A_102 = arith.constant 0 : i32
      %dma_start3A_103 = arith.constant 0 : i32
      %dma_start3A_104 = tpu.memref_slice %arg6[%dma_start3A_102, %dma_start3A_103] : memref<10240x128xf32, #tpu.memory_space<vmem_shared>> -> memref<10240x128xf32, #tpu.memory_space<vmem_shared>>
      tpu.enqueue_indirect_dma source(%arg10 : memref<128x128xf32, #tpu.memory_space<vmem>>) target(%dma_start3A_104 : memref<10240x128xf32, #tpu.memory_space<vmem_shared>>) offsets(%dma_start3A_101 : memref<128xi32, #tpu.memory_space<vmem>>) semaphore(%arg14 : memref<!tpu.dma_semaphore, #tpu.memory_space<semaphore_mem>>) {add = true}
      %dma_wait3A_105 = arith.constant 1 : i32
      %dma_wait3A_106 = arith.constant 0 : i32
      %dma_wait3A_107 = tpu.memref_slice %arg7[%dma_wait3A_105, %dma_wait3A_106] : memref<2x128xi32, #tpu.memory_space<vmem>> -> memref<1x128xi32, #tpu.memory_space<vmem>>
      %dma_wait3A_108 = tpu.memref_squeeze %dma_wait3A_107 : memref<1x128xi32, #tpu.memory_space<vmem>> -> memref<128xi32, #tpu.memory_space<vmem>>
      %dma_wait3A_109 = arith.constant 0 : i32
      %dma_wait3A_110 = arith.constant 0 : i32
      %dma_wait3A_111 = tpu.memref_slice %arg6[%dma_wait3A_109, %dma_wait3A_110] : memref<10240x128xf32, #tpu.memory_space<vmem_shared>> -> memref<10240x128xf32, #tpu.memory_space<vmem_shared>>
      tpu.wait_indirect_dma semaphore(%arg13 : memref<!tpu.dma_semaphore, #tpu.memory_space<semaphore_mem>>) src(%arg9 : memref<128x128xf32, #tpu.memory_space<vmem>>) dst(%dma_wait3A_111 : memref<10240x128xf32, #tpu.memory_space<vmem_shared>>)
      %add3A_112 = arith.constant 2 : i32
      %add3A_113 = arith.addi %mul3A_76, %add3A_112 : i32
      %mul3A_114 = arith.constant 32 : i32
      %mul3A_115 = arith.muli %add3A_113, %mul3A_114 : i32
      %add3A_116 = arith.addi %add3A, %mul3A_115 : i32
      "tpu.region"() ({
        %run_scoped3A = tpu.sem_alloc : memref<!tpu.dma_semaphore, #tpu.memory_space<semaphore_mem>>
        %dma_start3A_143 = arith.constant 0 : i32
        %dma_start3A_144 = arith.constant 0 : i32
        %dma_start3A_145 = tpu.memref_slice %arg3[%add3A_116, %dma_start3A_143, %dma_start3A_144] : memref<2500x2x128xi32, #tpu.memory_space<hbm>> -> memref<1x2x128xi32, #tpu.memory_space<hbm>>
        %dma_start3A_146 = tpu.memref_squeeze %dma_start3A_145 : memref<1x2x128xi32, #tpu.memory_space<hbm>> -> memref<2x128xi32, #tpu.memory_space<hbm>>
        %dma_start3A_147 = arith.constant 0 : i32
        %dma_start3A_148 = arith.constant 0 : i32
        %dma_start3A_149 = tpu.memref_slice %arg3[%add3A_116, %dma_start3A_147, %dma_start3A_148] : memref<2500x2x128xi32, #tpu.memory_space<hbm>> -> memref<1x2x128xi32, #tpu.memory_space<hbm>>
        %dma_start3A_150 = tpu.memref_squeeze %dma_start3A_149 : memref<1x2x128xi32, #tpu.memory_space<hbm>> -> memref<2x128xi32, #tpu.memory_space<hbm>>
        tpu.enqueue_dma source(%dma_start3A_150 : memref<2x128xi32, #tpu.memory_space<hbm>>) target(%arg7 : memref<2x128xi32, #tpu.memory_space<vmem>>) target_semaphore(%run_scoped3A : memref<!tpu.dma_semaphore, #tpu.memory_space<semaphore_mem>>)
        %dma_wait3A_151 = arith.constant 0 : i32
        %dma_wait3A_152 = arith.constant 0 : i32
        %dma_wait3A_153 = tpu.memref_slice %arg3[%add3A_116, %dma_wait3A_151, %dma_wait3A_152] : memref<2500x2x128xi32, #tpu.memory_space<hbm>> -> memref<1x2x128xi32, #tpu.memory_space<hbm>>
        %dma_wait3A_154 = tpu.memref_squeeze %dma_wait3A_153 : memref<1x2x128xi32, #tpu.memory_space<hbm>> -> memref<2x128xi32, #tpu.memory_space<hbm>>
        %dma_wait3A_155 = arith.constant 0 : i32
        %dma_wait3A_156 = arith.constant 0 : i32
        %dma_wait3A_157 = tpu.memref_slice %arg3[%add3A_116, %dma_wait3A_155, %dma_wait3A_156] : memref<2500x2x128xi32, #tpu.memory_space<hbm>> -> memref<1x2x128xi32, #tpu.memory_space<hbm>>
        %dma_wait3A_158 = tpu.memref_squeeze %dma_wait3A_157 : memref<1x2x128xi32, #tpu.memory_space<hbm>> -> memref<2x128xi32, #tpu.memory_space<hbm>>
        tpu.wait_dma2 semaphore(%run_scoped3A : memref<!tpu.dma_semaphore, #tpu.memory_space<semaphore_mem>>) src(%dma_wait3A_158 : memref<2x128xi32, #tpu.memory_space<hbm>>) dst(%arg7 : memref<2x128xi32, #tpu.memory_space<vmem>>)
        tpu.yield
      }) : () -> ()
      %dma_start3A_117 = arith.constant 0 : i32
      %dma_start3A_118 = arith.constant 0 : i32
      %dma_start3A_119 = tpu.memref_slice %arg7[%dma_start3A_117, %dma_start3A_118] : memref<2x128xi32, #tpu.memory_space<vmem>> -> memref<1x128xi32, #tpu.memory_space<vmem>>
      %dma_start3A_120 = tpu.memref_squeeze %dma_start3A_119 : memref<1x128xi32, #tpu.memory_space<vmem>> -> memref<128xi32, #tpu.memory_space<vmem>>
      %dma_start3A_121 = arith.constant 0 : i32
      %dma_start3A_122 = arith.constant 0 : i32
      %dma_start3A_123 = tpu.memref_slice %arg2[%dma_start3A_121, %dma_start3A_122] : memref<10000x128xf32, #tpu.memory_space<hbm>> -> memref<10000x128xf32, #tpu.memory_space<hbm>>
      tpu.enqueue_indirect_dma source(%dma_start3A_123 : memref<10000x128xf32, #tpu.memory_space<hbm>>) target(%arg9 : memref<128x128xf32, #tpu.memory_space<vmem>>) offsets(%dma_start3A_120 : memref<128xi32, #tpu.memory_space<vmem>>) semaphore(%arg11 : memref<!tpu.dma_semaphore, #tpu.memory_space<semaphore_mem>>)
      %dma_wait3A_124 = arith.constant 1 : i32
      %dma_wait3A_125 = arith.constant 0 : i32
      %dma_wait3A_126 = tpu.memref_slice %arg8[%dma_wait3A_124, %dma_wait3A_125] : memref<2x128xi32, #tpu.memory_space<vmem>> -> memref<1x128xi32, #tpu.memory_space<vmem>>
      %dma_wait3A_127 = tpu.memref_squeeze %dma_wait3A_126 : memref<1x128xi32, #tpu.memory_space<vmem>> -> memref<128xi32, #tpu.memory_space<vmem>>
      %dma_wait3A_128 = arith.constant 0 : i32
      %dma_wait3A_129 = arith.constant 0 : i32
      %dma_wait3A_130 = tpu.memref_slice %arg6[%dma_wait3A_128, %dma_wait3A_129] : memref<10240x128xf32, #tpu.memory_space<vmem_shared>> -> memref<10240x128xf32, #tpu.memory_space<vmem_shared>>
      tpu.wait_indirect_dma semaphore(%arg14 : memref<!tpu.dma_semaphore, #tpu.memory_space<semaphore_mem>>) src(%arg10 : memref<128x128xf32, #tpu.memory_space<vmem>>) dst(%dma_wait3A_130 : memref<10240x128xf32, #tpu.memory_space<vmem_shared>>)
      %add3A_131 = arith.constant 3 : i32
      %add3A_132 = arith.addi %mul3A_76, %add3A_131 : i32
      %mul3A_133 = arith.constant 32 : i32
      %mul3A_134 = arith.muli %add3A_132, %mul3A_133 : i32
      %add3A_135 = arith.addi %add3A, %mul3A_134 : i32
      "tpu.region"() ({
        %run_scoped3A = tpu.sem_alloc : memref<!tpu.dma_semaphore, #tpu.memory_space<semaphore_mem>>
        %dma_start3A_143 = arith.constant 0 : i32
        %dma_start3A_144 = arith.constant 0 : i32
        %dma_start3A_145 = tpu.memref_slice %arg3[%add3A_135, %dma_start3A_143, %dma_start3A_144] : memref<2500x2x128xi32, #tpu.memory_space<hbm>> -> memref<1x2x128xi32, #tpu.memory_space<hbm>>
        %dma_start3A_146 = tpu.memref_squeeze %dma_start3A_145 : memref<1x2x128xi32, #tpu.memory_space<hbm>> -> memref<2x128xi32, #tpu.memory_space<hbm>>
        %dma_start3A_147 = arith.constant 0 : i32
        %dma_start3A_148 = arith.constant 0 : i32
        %dma_start3A_149 = tpu.memref_slice %arg3[%add3A_135, %dma_start3A_147, %dma_start3A_148] : memref<2500x2x128xi32, #tpu.memory_space<hbm>> -> memref<1x2x128xi32, #tpu.memory_space<hbm>>
        %dma_start3A_150 = tpu.memref_squeeze %dma_start3A_149 : memref<1x2x128xi32, #tpu.memory_space<hbm>> -> memref<2x128xi32, #tpu.memory_space<hbm>>
        tpu.enqueue_dma source(%dma_start3A_150 : memref<2x128xi32, #tpu.memory_space<hbm>>) target(%arg8 : memref<2x128xi32, #tpu.memory_space<vmem>>) target_semaphore(%run_scoped3A : memref<!tpu.dma_semaphore, #tpu.memory_space<semaphore_mem>>)
        %dma_wait3A_151 = arith.constant 0 : i32
        %dma_wait3A_152 = arith.constant 0 : i32
        %dma_wait3A_153 = tpu.memref_slice %arg3[%add3A_135, %dma_wait3A_151, %dma_wait3A_152] : memref<2500x2x128xi32, #tpu.memory_space<hbm>> -> memref<1x2x128xi32, #tpu.memory_space<hbm>>
        %dma_wait3A_154 = tpu.memref_squeeze %dma_wait3A_153 : memref<1x2x128xi32, #tpu.memory_space<hbm>> -> memref<2x128xi32, #tpu.memory_space<hbm>>
        %dma_wait3A_155 = arith.constant 0 : i32
        %dma_wait3A_156 = arith.constant 0 : i32
        %dma_wait3A_157 = tpu.memref_slice %arg3[%add3A_135, %dma_wait3A_155, %dma_wait3A_156] : memref<2500x2x128xi32, #tpu.memory_space<hbm>> -> memref<1x2x128xi32, #tpu.memory_space<hbm>>
        %dma_wait3A_158 = tpu.memref_squeeze %dma_wait3A_157 : memref<1x2x128xi32, #tpu.memory_space<hbm>> -> memref<2x128xi32, #tpu.memory_space<hbm>>
        tpu.wait_dma2 semaphore(%run_scoped3A : memref<!tpu.dma_semaphore, #tpu.memory_space<semaphore_mem>>) src(%dma_wait3A_158 : memref<2x128xi32, #tpu.memory_space<hbm>>) dst(%arg8 : memref<2x128xi32, #tpu.memory_space<vmem>>)
        tpu.yield
      }) : () -> ()
      %dma_start3A_136 = arith.constant 0 : i32
      %dma_start3A_137 = arith.constant 0 : i32
      %dma_start3A_138 = tpu.memref_slice %arg8[%dma_start3A_136, %dma_start3A_137] : memref<2x128xi32, #tpu.memory_space<vmem>> -> memref<1x128xi32, #tpu.memory_space<vmem>>
      %dma_start3A_139 = tpu.memref_squeeze %dma_start3A_138 : memref<1x128xi32, #tpu.memory_space<vmem>> -> memref<128xi32, #tpu.memory_space<vmem>>
      %dma_start3A_140 = arith.constant 0 : i32
      %dma_start3A_141 = arith.constant 0 : i32
      %dma_start3A_142 = tpu.memref_slice %arg2[%dma_start3A_140, %dma_start3A_141] : memref<10000x128xf32, #tpu.memory_space<hbm>> -> memref<10000x128xf32, #tpu.memory_space<hbm>>
      tpu.enqueue_indirect_dma source(%dma_start3A_142 : memref<10000x128xf32, #tpu.memory_space<hbm>>) target(%arg10 : memref<128x128xf32, #tpu.memory_space<vmem>>) offsets(%dma_start3A_139 : memref<128xi32, #tpu.memory_space<vmem>>) semaphore(%arg12 : memref<!tpu.dma_semaphore, #tpu.memory_space<semaphore_mem>>)
    }
    %scan3A_21 = arith.constant 38 : i32
    %dma_wait3A = arith.constant 0 : i32
    %dma_wait3A_22 = arith.constant 0 : i32
    %dma_wait3A_23 = tpu.memref_slice %arg7[%dma_wait3A, %dma_wait3A_22] : memref<2x128xi32, #tpu.memory_space<vmem>> -> memref<1x128xi32, #tpu.memory_space<vmem>>
    %dma_wait3A_24 = tpu.memref_squeeze %dma_wait3A_23 : memref<1x128xi32, #tpu.memory_space<vmem>> -> memref<128xi32, #tpu.memory_space<vmem>>
    %dma_wait3A_25 = arith.constant 0 : i32
    %dma_wait3A_26 = arith.constant 0 : i32
    %dma_wait3A_27 = tpu.memref_slice %arg2[%dma_wait3A_25, %dma_wait3A_26] : memref<10000x128xf32, #tpu.memory_space<hbm>> -> memref<10000x128xf32, #tpu.memory_space<hbm>>
    tpu.wait_indirect_dma semaphore(%arg11 : memref<!tpu.dma_semaphore, #tpu.memory_space<semaphore_mem>>) src(%dma_wait3A_27 : memref<10000x128xf32, #tpu.memory_space<hbm>>) dst(%arg9 : memref<128x128xf32, #tpu.memory_space<vmem>>)
    %dma_start3A_28 = arith.constant 1 : i32
    %dma_start3A_29 = arith.constant 0 : i32
    %dma_start3A_30 = tpu.memref_slice %arg7[%dma_start3A_28, %dma_start3A_29] : memref<2x128xi32, #tpu.memory_space<vmem>> -> memref<1x128xi32, #tpu.memory_space<vmem>>
    %dma_start3A_31 = tpu.memref_squeeze %dma_start3A_30 : memref<1x128xi32, #tpu.memory_space<vmem>> -> memref<128xi32, #tpu.memory_space<vmem>>
    %dma_start3A_32 = arith.constant 0 : i32
    %dma_start3A_33 = arith.constant 0 : i32
    %dma_start3A_34 = tpu.memref_slice %arg6[%dma_start3A_32, %dma_start3A_33] : memref<10240x128xf32, #tpu.memory_space<vmem_shared>> -> memref<10240x128xf32, #tpu.memory_space<vmem_shared>>
    tpu.enqueue_indirect_dma source(%arg9 : memref<128x128xf32, #tpu.memory_space<vmem>>) target(%dma_start3A_34 : memref<10240x128xf32, #tpu.memory_space<vmem_shared>>) offsets(%dma_start3A_31 : memref<128xi32, #tpu.memory_space<vmem>>) semaphore(%arg13 : memref<!tpu.dma_semaphore, #tpu.memory_space<semaphore_mem>>) {add = true}
    %dma_wait3A_35 = arith.constant 0 : i32
    %dma_wait3A_36 = arith.constant 0 : i32
    %dma_wait3A_37 = tpu.memref_slice %arg8[%dma_wait3A_35, %dma_wait3A_36] : memref<2x128xi32, #tpu.memory_space<vmem>> -> memref<1x128xi32, #tpu.memory_space<vmem>>
    %dma_wait3A_38 = tpu.memref_squeeze %dma_wait3A_37 : memref<1x128xi32, #tpu.memory_space<vmem>> -> memref<128xi32, #tpu.memory_space<vmem>>
    %dma_wait3A_39 = arith.constant 0 : i32
    %dma_wait3A_40 = arith.constant 0 : i32
    %dma_wait3A_41 = tpu.memref_slice %arg2[%dma_wait3A_39, %dma_wait3A_40] : memref<10000x128xf32, #tpu.memory_space<hbm>> -> memref<10000x128xf32, #tpu.memory_space<hbm>>
    tpu.wait_indirect_dma semaphore(%arg12 : memref<!tpu.dma_semaphore, #tpu.memory_space<semaphore_mem>>) src(%dma_wait3A_41 : memref<10000x128xf32, #tpu.memory_space<hbm>>) dst(%arg10 : memref<128x128xf32, #tpu.memory_space<vmem>>)
    %dma_start3A_42 = arith.constant 1 : i32
    %dma_start3A_43 = arith.constant 0 : i32
    %dma_start3A_44 = tpu.memref_slice %arg8[%dma_start3A_42, %dma_start3A_43] : memref<2x128xi32, #tpu.memory_space<vmem>> -> memref<1x128xi32, #tpu.memory_space<vmem>>
    %dma_start3A_45 = tpu.memref_squeeze %dma_start3A_44 : memref<1x128xi32, #tpu.memory_space<vmem>> -> memref<128xi32, #tpu.memory_space<vmem>>
    %dma_start3A_46 = arith.constant 0 : i32
    %dma_start3A_47 = arith.constant 0 : i32
    %dma_start3A_48 = tpu.memref_slice %arg6[%dma_start3A_46, %dma_start3A_47] : memref<10240x128xf32, #tpu.memory_space<vmem_shared>> -> memref<10240x128xf32, #tpu.memory_space<vmem_shared>>
    tpu.enqueue_indirect_dma source(%arg10 : memref<128x128xf32, #tpu.memory_space<vmem>>) target(%dma_start3A_48 : memref<10240x128xf32, #tpu.memory_space<vmem_shared>>) offsets(%dma_start3A_45 : memref<128xi32, #tpu.memory_space<vmem>>) semaphore(%arg14 : memref<!tpu.dma_semaphore, #tpu.memory_space<semaphore_mem>>) {add = true}
    %dma_wait3A_49 = arith.constant 1 : i32
    %dma_wait3A_50 = arith.constant 0 : i32
    %dma_wait3A_51 = tpu.memref_slice %arg7[%dma_wait3A_49, %dma_wait3A_50] : memref<2x128xi32, #tpu.memory_space<vmem>> -> memref<1x128xi32, #tpu.memory_space<vmem>>
    %dma_wait3A_52 = tpu.memref_squeeze %dma_wait3A_51 : memref<1x128xi32, #tpu.memory_space<vmem>> -> memref<128xi32, #tpu.memory_space<vmem>>
    %dma_wait3A_53 = arith.constant 0 : i32
    %dma_wait3A_54 = arith.constant 0 : i32
    %dma_wait3A_55 = tpu.memref_slice %arg6[%dma_wait3A_53, %dma_wait3A_54] : memref<10240x128xf32, #tpu.memory_space<vmem_shared>> -> memref<10240x128xf32, #tpu.memory_space<vmem_shared>>
    tpu.wait_indirect_dma semaphore(%arg13 : memref<!tpu.dma_semaphore, #tpu.memory_space<semaphore_mem>>) src(%arg9 : memref<128x128xf32, #tpu.memory_space<vmem>>) dst(%dma_wait3A_55 : memref<10240x128xf32, #tpu.memory_space<vmem_shared>>)
    %dma_wait3A_56 = arith.constant 1 : i32
    %dma_wait3A_57 = arith.constant 0 : i32
    %dma_wait3A_58 = tpu.memref_slice %arg8[%dma_wait3A_56, %dma_wait3A_57] : memref<2x128xi32, #tpu.memory_space<vmem>> -> memref<1x128xi32, #tpu.memory_space<vmem>>
    %dma_wait3A_59 = tpu.memref_squeeze %dma_wait3A_58 : memref<1x128xi32, #tpu.memory_space<vmem>> -> memref<128xi32, #tpu.memory_space<vmem>>
    %dma_wait3A_60 = arith.constant 0 : i32
    %dma_wait3A_61 = arith.constant 0 : i32
    %dma_wait3A_62 = tpu.memref_slice %arg6[%dma_wait3A_60, %dma_wait3A_61] : memref<10240x128xf32, #tpu.memory_space<vmem_shared>> -> memref<10240x128xf32, #tpu.memory_space<vmem_shared>>
    tpu.wait_indirect_dma semaphore(%arg14 : memref<!tpu.dma_semaphore, #tpu.memory_space<semaphore_mem>>) src(%arg10 : memref<128x128xf32, #tpu.memory_space<vmem>>) dst(%dma_wait3A_62 : memref<10240x128xf32, #tpu.memory_space<vmem_shared>>)
    %lt3A = arith.constant 4 : i32
    %lt3A_63 = arith.cmpi slt, %add3A, %lt3A : i32
    %convert_element_type3A = arith.extui %lt3A_63 : i1 to i32
    %cond3A = arith.constant 0 : i32
    %cond3A_64 = arith.cmpi ne, %convert_element_type3A, %cond3A : i32
    scf.if %cond3A_64 {
      %add3A_70 = arith.constant 2496 : i32
      %add3A_71 = arith.addi %add3A_70, %add3A : i32
      "tpu.region"() ({
        %run_scoped3A_86 = tpu.sem_alloc : memref<!tpu.dma_semaphore, #tpu.memory_space<semaphore_mem>>
        %dma_start3A_87 = arith.constant 0 : i32
        %dma_start3A_88 = arith.constant 0 : i32
        %dma_start3A_89 = tpu.memref_slice %arg3[%add3A_71, %dma_start3A_87, %dma_start3A_88] : memref<2500x2x128xi32, #tpu.memory_space<hbm>> -> memref<1x2x128xi32, #tpu.memory_space<hbm>>
        %dma_start3A_90 = tpu.memref_squeeze %dma_start3A_89 : memref<1x2x128xi32, #tpu.memory_space<hbm>> -> memref<2x128xi32, #tpu.memory_space<hbm>>
        %dma_start3A_91 = arith.constant 0 : i32
        %dma_start3A_92 = arith.constant 0 : i32
        %dma_start3A_93 = tpu.memref_slice %arg3[%add3A_71, %dma_start3A_91, %dma_start3A_92] : memref<2500x2x128xi32, #tpu.memory_space<hbm>> -> memref<1x2x128xi32, #tpu.memory_space<hbm>>
        %dma_start3A_94 = tpu.memref_squeeze %dma_start3A_93 : memref<1x2x128xi32, #tpu.memory_space<hbm>> -> memref<2x128xi32, #tpu.memory_space<hbm>>
        tpu.enqueue_dma source(%dma_start3A_94 : memref<2x128xi32, #tpu.memory_space<hbm>>) target(%arg7 : memref<2x128xi32, #tpu.memory_space<vmem>>) target_semaphore(%run_scoped3A_86 : memref<!tpu.dma_semaphore, #tpu.memory_space<semaphore_mem>>)
        %dma_wait3A_95 = arith.constant 0 : i32
        %dma_wait3A_96 = arith.constant 0 : i32
        %dma_wait3A_97 = tpu.memref_slice %arg3[%add3A_71, %dma_wait3A_95, %dma_wait3A_96] : memref<2500x2x128xi32, #tpu.memory_space<hbm>> -> memref<1x2x128xi32, #tpu.memory_space<hbm>>
        %dma_wait3A_98 = tpu.memref_squeeze %dma_wait3A_97 : memref<1x2x128xi32, #tpu.memory_space<hbm>> -> memref<2x128xi32, #tpu.memory_space<hbm>>
        %dma_wait3A_99 = arith.constant 0 : i32
        %dma_wait3A_100 = arith.constant 0 : i32
        %dma_wait3A_101 = tpu.memref_slice %arg3[%add3A_71, %dma_wait3A_99, %dma_wait3A_100] : memref<2500x2x128xi32, #tpu.memory_space<hbm>> -> memref<1x2x128xi32, #tpu.memory_space<hbm>>
        %dma_wait3A_102 = tpu.memref_squeeze %dma_wait3A_101 : memref<1x2x128xi32, #tpu.memory_space<hbm>> -> memref<2x128xi32, #tpu.memory_space<hbm>>
        tpu.wait_dma2 semaphore(%run_scoped3A_86 : memref<!tpu.dma_semaphore, #tpu.memory_space<semaphore_mem>>) src(%dma_wait3A_102 : memref<2x128xi32, #tpu.memory_space<hbm>>) dst(%arg7 : memref<2x128xi32, #tpu.memory_space<vmem>>)
        tpu.yield
      }) : () -> ()
      %dma_start3A_72 = arith.constant 0 : i32
      %dma_start3A_73 = arith.constant 0 : i32
      %dma_start3A_74 = tpu.memref_slice %arg7[%dma_start3A_72, %dma_start3A_73] : memref<2x128xi32, #tpu.memory_space<vmem>> -> memref<1x128xi32, #tpu.memory_space<vmem>>
      %dma_start3A_75 = tpu.memref_squeeze %dma_start3A_74 : memref<1x128xi32, #tpu.memory_space<vmem>> -> memref<128xi32, #tpu.memory_space<vmem>>
      %dma_start3A_76 = arith.constant 0 : i32
      %dma_start3A_77 = arith.constant 0 : i32
      %dma_start3A_78 = tpu.memref_slice %arg2[%dma_start3A_76, %dma_start3A_77] : memref<10000x128xf32, #tpu.memory_space<hbm>> -> memref<10000x128xf32, #tpu.memory_space<hbm>>
      tpu.enqueue_indirect_dma source(%dma_start3A_78 : memref<10000x128xf32, #tpu.memory_space<hbm>>) target(%arg9 : memref<128x128xf32, #tpu.memory_space<vmem>>) offsets(%dma_start3A_75 : memref<128xi32, #tpu.memory_space<vmem>>) semaphore(%arg11 : memref<!tpu.dma_semaphore, #tpu.memory_space<semaphore_mem>>)
      %dma_wait3A_79 = arith.constant 0 : i32
      %dma_wait3A_80 = arith.constant 0 : i32
      %dma_wait3A_81 = tpu.memref_slice %arg7[%dma_wait3A_79, %dma_wait3A_80] : memref<2x128xi32, #tpu.memory_space<vmem>> -> memref<1x128xi32, #tpu.memory_space<vmem>>
      %dma_wait3A_82 = tpu.memref_squeeze %dma_wait3A_81 : memref<1x128xi32, #tpu.memory_space<vmem>> -> memref<128xi32, #tpu.memory_space<vmem>>
      %dma_wait3A_83 = arith.constant 0 : i32
      %dma_wait3A_84 = arith.constant 0 : i32
      %dma_wait3A_85 = tpu.memref_slice %arg2[%dma_wait3A_83, %dma_wait3A_84] : memref<10000x128xf32, #tpu.memory_space<hbm>> -> memref<10000x128xf32, #tpu.memory_space<hbm>>
      tpu.wait_indirect_dma semaphore(%arg11 : memref<!tpu.dma_semaphore, #tpu.memory_space<semaphore_mem>>) src(%dma_wait3A_85 : memref<10000x128xf32, #tpu.memory_space<hbm>>) dst(%arg9 : memref<128x128xf32, #tpu.memory_space<vmem>>)
      %run_scoped3A = arith.constant 1 : i32
      "tpu.region"() ({
        %run_scoped3A_86 = tpu.sem_alloc : memref<!tpu.dma_semaphore, #tpu.memory_space<semaphore_mem>>
        %dma_start3A_87 = arith.constant 0 : i32
        %dma_start3A_88 = tpu.memref_slice %arg7[%run_scoped3A, %dma_start3A_87] : memref<2x128xi32, #tpu.memory_space<vmem>> -> memref<1x128xi32, #tpu.memory_space<vmem>>
        %dma_start3A_89 = tpu.memref_squeeze %dma_start3A_88 : memref<1x128xi32, #tpu.memory_space<vmem>> -> memref<128xi32, #tpu.memory_space<vmem>>
        %dma_start3A_90 = arith.constant 0 : i32
        %dma_start3A_91 = arith.constant 0 : i32
        %dma_start3A_92 = tpu.memref_slice %arg6[%dma_start3A_90, %dma_start3A_91] : memref<10240x128xf32, #tpu.memory_space<vmem_shared>> -> memref<10240x128xf32, #tpu.memory_space<vmem_shared>>
        tpu.enqueue_indirect_dma source(%arg9 : memref<128x128xf32, #tpu.memory_space<vmem>>) target(%dma_start3A_92 : memref<10240x128xf32, #tpu.memory_space<vmem_shared>>) offsets(%dma_start3A_89 : memref<128xi32, #tpu.memory_space<vmem>>) semaphore(%run_scoped3A_86 : memref<!tpu.dma_semaphore, #tpu.memory_space<semaphore_mem>>) {add = true}
        %dma_wait3A_93 = arith.constant 0 : i32
        %dma_wait3A_94 = tpu.memref_slice %arg7[%run_scoped3A, %dma_wait3A_93] : memref<2x128xi32, #tpu.memory_space<vmem>> -> memref<1x128xi32, #tpu.memory_space<vmem>>
        %dma_wait3A_95 = tpu.memref_squeeze %dma_wait3A_94 : memref<1x128xi32, #tpu.memory_space<vmem>> -> memref<128xi32, #tpu.memory_space<vmem>>
        %dma_wait3A_96 = arith.constant 0 : i32
        %dma_wait3A_97 = arith.constant 0 : i32
        %dma_wait3A_98 = tpu.memref_slice %arg6[%dma_wait3A_96, %dma_wait3A_97] : memref<10240x128xf32, #tpu.memory_space<vmem_shared>> -> memref<10240x128xf32, #tpu.memory_space<vmem_shared>>
        tpu.wait_indirect_dma semaphore(%run_scoped3A_86 : memref<!tpu.dma_semaphore, #tpu.memory_space<semaphore_mem>>) src(%arg9 : memref<128x128xf32, #tpu.memory_space<vmem>>) dst(%dma_wait3A_98 : memref<10240x128xf32, #tpu.memory_space<vmem_shared>>)
        tpu.yield
      }) : () -> ()
    } else {
    }
    %barrier3A_65 = arith.constant 0 : index
    tpu.barrier barrier_id(%barrier3A_65)
    %mul3A_66 = arith.constant 640 : i32
    %mul3A_67 = arith.muli %arg1, %mul3A_66 : i32
    %mul3A_68 = arith.constant 640 : i32
    %mul3A_69 = arith.muli %arg1, %mul3A_68 : i32
    "tpu.region"() ({
      %run_scoped3A = tpu.sem_alloc : memref<!tpu.dma_semaphore, #tpu.memory_space<semaphore_mem>>
      %dma_start3A_70 = arith.constant 0 : i32
      %dma_start3A_71 = tpu.memref_slice %arg5[%arg0, %mul3A_69, %dma_start3A_70] : memref<2x10240x128xf32, #tpu.memory_space<hbm>> -> memref<1x640x128xf32, #tpu.memory_space<hbm>>
      %dma_start3A_72 = tpu.memref_squeeze %dma_start3A_71 : memref<1x640x128xf32, #tpu.memory_space<hbm>> -> memref<640x128xf32, #tpu.memory_space<hbm>>
      %dma_start3A_73 = arith.constant 0 : i32
      %dma_start3A_74 = tpu.memref_slice %arg6[%mul3A_67, %dma_start3A_73] : memref<10240x128xf32, #tpu.memory_space<vmem_shared>> -> memref<640x128xf32, #tpu.memory_space<vmem_shared>>
      tpu.enqueue_dma source(%dma_start3A_74 : memref<640x128xf32, #tpu.memory_space<vmem_shared>>) target(%dma_start3A_72 : memref<640x128xf32, #tpu.memory_space<hbm>>) target_semaphore(%run_scoped3A : memref<!tpu.dma_semaphore, #tpu.memory_space<semaphore_mem>>)
      %dma_wait3A_75 = arith.constant 0 : i32
      %dma_wait3A_76 = tpu.memref_slice %arg5[%arg0, %mul3A_69, %dma_wait3A_75] : memref<2x10240x128xf32, #tpu.memory_space<hbm>> -> memref<1x640x128xf32, #tpu.memory_space<hbm>>
      %dma_wait3A_77 = tpu.memref_squeeze %dma_wait3A_76 : memref<1x640x128xf32, #tpu.memory_space<hbm>> -> memref<640x128xf32, #tpu.memory_space<hbm>>
      %dma_wait3A_78 = arith.constant 0 : i32
      %dma_wait3A_79 = tpu.memref_slice %arg6[%mul3A_67, %dma_wait3A_78] : memref<10240x128xf32, #tpu.memory_space<vmem_shared>> -> memref<640x128xf32, #tpu.memory_space<vmem_shared>>
      tpu.wait_dma2 semaphore(%run_scoped3A : memref<!tpu.dma_semaphore, #tpu.memory_space<semaphore_mem>>) src(%dma_wait3A_79 : memref<640x128xf32, #tpu.memory_space<vmem_shared>>) dst(%dma_wait3A_77 : memref<640x128xf32, #tpu.memory_space<hbm>>)
      tpu.yield
    }) : () -> ()
    return
  }
}

#map = affine_map<(d0, d1) -> (0, 0)>
#map1 = affine_map<(d0, d1) -> (0, 0, 0)>
module attributes {stable_mosaic.version = 14 : i64} {
  func.func @_segsum_body(%arg0: i32, %arg1: i32, %arg2: memref<10000x128xf32, #tpu.memory_space<hbm>>, %arg3: memref<2500x2x128xi32, #tpu.memory_space<hbm>>, %arg4: memref<640x128xf32, #tpu.memory_space<hbm>>, %arg5: memref<2x10240x128xf32, #tpu.memory_space<hbm>>, %arg6: memref<10240x128xf32, #tpu.memory_space<vmem_shared>>, %arg7: memref<2x128xi32, #tpu.memory_space<vmem>>, %arg8: memref<2x128xi32, #tpu.memory_space<vmem>>, %arg9: memref<128x128xf32, #tpu.memory_space<vmem>>, %arg10: memref<128x128xf32, #tpu.memory_space<vmem>>, %arg11: memref<!tpu.dma_semaphore, #tpu.memory_space<semaphore_mem>>, %arg12: memref<!tpu.dma_semaphore, #tpu.memory_space<semaphore_mem>>, %arg13: memref<!tpu.dma_semaphore, #tpu.memory_space<semaphore_mem>>, %arg14: memref<!tpu.dma_semaphore, #tpu.memory_space<semaphore_mem>>) attributes {dimension_semantics = [#tpu.dimension_semantics<core_parallel>, #tpu.dimension_semantics<subcore_parallel>], iteration_bounds = array<i64: 2, 16>, scalar_prefetch = 0 : i64, scratch_operands = 9 : i64, tpu.core_type = #tpu.core_type<sc_vector_subcore>, window_params = [{transform_indices = #map}, {transform_indices = #map1}, {transform_indices = #map}, {transform_indices = #map1}]} {
    %mul3A = arith.constant 2 : i32
    %mul3A_0 = arith.muli %arg1, %mul3A : i32
    %add3A = arith.addi %mul3A_0, %arg0 : i32
    %mul3A_1 = arith.constant 640 : i32
    %mul3A_2 = arith.muli %arg1, %mul3A_1 : i32
    "tpu.region"() ({
      %run_scoped3A = tpu.sem_alloc : memref<!tpu.dma_semaphore, #tpu.memory_space<semaphore_mem>>
      %dma_start3A_70 = arith.constant 0 : i32
      %dma_start3A_71 = tpu.memref_slice %arg6[%mul3A_2, %dma_start3A_70] : memref<10240x128xf32, #tpu.memory_space<vmem_shared>> -> memref<640x128xf32, #tpu.memory_space<vmem_shared>>
      tpu.enqueue_dma source(%arg4 : memref<640x128xf32, #tpu.memory_space<hbm>>) target(%dma_start3A_71 : memref<640x128xf32, #tpu.memory_space<vmem_shared>>) target_semaphore(%run_scoped3A : memref<!tpu.dma_semaphore, #tpu.memory_space<semaphore_mem>>)
      %dma_wait3A_72 = arith.constant 0 : i32
      %dma_wait3A_73 = tpu.memref_slice %arg6[%mul3A_2, %dma_wait3A_72] : memref<10240x128xf32, #tpu.memory_space<vmem_shared>> -> memref<640x128xf32, #tpu.memory_space<vmem_shared>>
      tpu.wait_dma2 semaphore(%run_scoped3A : memref<!tpu.dma_semaphore, #tpu.memory_space<semaphore_mem>>) src(%arg4 : memref<640x128xf32, #tpu.memory_space<hbm>>) dst(%dma_wait3A_73 : memref<640x128xf32, #tpu.memory_space<vmem_shared>>)
      tpu.yield
    }) : () -> ()
    %barrier3A = arith.constant 0 : index
    tpu.barrier barrier_id(%barrier3A)
    "tpu.region"() ({
      %run_scoped3A = tpu.sem_alloc : memref<!tpu.dma_semaphore, #tpu.memory_space<semaphore_mem>>
      %dma_start3A_70 = arith.constant 0 : i32
      %dma_start3A_71 = arith.constant 0 : i32
      %dma_start3A_72 = tpu.memref_slice %arg3[%add3A, %dma_start3A_70, %dma_start3A_71] : memref<2500x2x128xi32, #tpu.memory_space<hbm>> -> memref<1x2x128xi32, #tpu.memory_space<hbm>>
      %dma_start3A_73 = tpu.memref_squeeze %dma_start3A_72 : memref<1x2x128xi32, #tpu.memory_space<hbm>> -> memref<2x128xi32, #tpu.memory_space<hbm>>
      %dma_start3A_74 = arith.constant 0 : i32
      %dma_start3A_75 = arith.constant 0 : i32
      %dma_start3A_76 = tpu.memref_slice %arg3[%add3A, %dma_start3A_74, %dma_start3A_75] : memref<2500x2x128xi32, #tpu.memory_space<hbm>> -> memref<1x2x128xi32, #tpu.memory_space<hbm>>
      %dma_start3A_77 = tpu.memref_squeeze %dma_start3A_76 : memref<1x2x128xi32, #tpu.memory_space<hbm>> -> memref<2x128xi32, #tpu.memory_space<hbm>>
      tpu.enqueue_dma source(%dma_start3A_77 : memref<2x128xi32, #tpu.memory_space<hbm>>) target(%arg7 : memref<2x128xi32, #tpu.memory_space<vmem>>) target_semaphore(%run_scoped3A : memref<!tpu.dma_semaphore, #tpu.memory_space<semaphore_mem>>)
      %dma_wait3A_78 = arith.constant 0 : i32
      %dma_wait3A_79 = arith.constant 0 : i32
      %dma_wait3A_80 = tpu.memref_slice %arg3[%add3A, %dma_wait3A_78, %dma_wait3A_79] : memref<2500x2x128xi32, #tpu.memory_space<hbm>> -> memref<1x2x128xi32, #tpu.memory_space<hbm>>
      %dma_wait3A_81 = tpu.memref_squeeze %dma_wait3A_80 : memref<1x2x128xi32, #tpu.memory_space<hbm>> -> memref<2x128xi32, #tpu.memory_space<hbm>>
      %dma_wait3A_82 = arith.constant 0 : i32
      %dma_wait3A_83 = arith.constant 0 : i32
      %dma_wait3A_84 = tpu.memref_slice %arg3[%add3A, %dma_wait3A_82, %dma_wait3A_83] : memref<2500x2x128xi32, #tpu.memory_space<hbm>> -> memref<1x2x128xi32, #tpu.memory_space<hbm>>
      %dma_wait3A_85 = tpu.memref_squeeze %dma_wait3A_84 : memref<1x2x128xi32, #tpu.memory_space<hbm>> -> memref<2x128xi32, #tpu.memory_space<hbm>>
      tpu.wait_dma2 semaphore(%run_scoped3A : memref<!tpu.dma_semaphore, #tpu.memory_space<semaphore_mem>>) src(%dma_wait3A_85 : memref<2x128xi32, #tpu.memory_space<hbm>>) dst(%arg7 : memref<2x128xi32, #tpu.memory_space<vmem>>)
      tpu.yield
    }) : () -> ()
    %dma_start3A = arith.constant 0 : i32
    %dma_start3A_3 = arith.constant 0 : i32
    %dma_start3A_4 = tpu.memref_slice %arg7[%dma_start3A, %dma_start3A_3] : memref<2x128xi32, #tpu.memory_space<vmem>> -> memref<1x128xi32, #tpu.memory_space<vmem>>
    %dma_start3A_5 = tpu.memref_squeeze %dma_start3A_4 : memref<1x128xi32, #tpu.memory_space<vmem>> -> memref<128xi32, #tpu.memory_space<vmem>>
    %dma_start3A_6 = arith.constant 0 : i32
    %dma_start3A_7 = arith.constant 0 : i32
    %dma_start3A_8 = tpu.memref_slice %arg2[%dma_start3A_6, %dma_start3A_7] : memref<10000x128xf32, #tpu.memory_space<hbm>> -> memref<10000x128xf32, #tpu.memory_space<hbm>>
    tpu.enqueue_indirect_dma source(%dma_start3A_8 : memref<10000x128xf32, #tpu.memory_space<hbm>>) target(%arg9 : memref<128x128xf32, #tpu.memory_space<vmem>>) offsets(%dma_start3A_5 : memref<128xi32, #tpu.memory_space<vmem>>) semaphore(%arg11 : memref<!tpu.dma_semaphore, #tpu.memory_space<semaphore_mem>>)
    %add3A_9 = arith.constant 32 : i32
    %add3A_10 = arith.addi %add3A, %add3A_9 : i32
    "tpu.region"() ({
      %run_scoped3A = tpu.sem_alloc : memref<!tpu.dma_semaphore, #tpu.memory_space<semaphore_mem>>
      %dma_start3A_70 = arith.constant 0 : i32
      %dma_start3A_71 = arith.constant 0 : i32
      %dma_start3A_72 = tpu.memref_slice %arg3[%add3A_10, %dma_start3A_70, %dma_start3A_71] : memref<2500x2x128xi32, #tpu.memory_space<hbm>> -> memref<1x2x128xi32, #tpu.memory_space<hbm>>
      %dma_start3A_73 = tpu.memref_squeeze %dma_start3A_72 : memref<1x2x128xi32, #tpu.memory_space<hbm>> -> memref<2x128xi32, #tpu.memory_space<hbm>>
      %dma_start3A_74 = arith.constant 0 : i32
      %dma_start3A_75 = arith.constant 0 : i32
      %dma_start3A_76 = tpu.memref_slice %arg3[%add3A_10, %dma_start3A_74, %dma_start3A_75] : memref<2500x2x128xi32, #tpu.memory_space<hbm>> -> memref<1x2x128xi32, #tpu.memory_space<hbm>>
      %dma_start3A_77 = tpu.memref_squeeze %dma_start3A_76 : memref<1x2x128xi32, #tpu.memory_space<hbm>> -> memref<2x128xi32, #tpu.memory_space<hbm>>
      tpu.enqueue_dma source(%dma_start3A_77 : memref<2x128xi32, #tpu.memory_space<hbm>>) target(%arg8 : memref<2x128xi32, #tpu.memory_space<vmem>>) target_semaphore(%run_scoped3A : memref<!tpu.dma_semaphore, #tpu.memory_space<semaphore_mem>>)
      %dma_wait3A_78 = arith.constant 0 : i32
      %dma_wait3A_79 = arith.constant 0 : i32
      %dma_wait3A_80 = tpu.memref_slice %arg3[%add3A_10, %dma_wait3A_78, %dma_wait3A_79] : memref<2500x2x128xi32, #tpu.memory_space<hbm>> -> memref<1x2x128xi32, #tpu.memory_space<hbm>>
      %dma_wait3A_81 = tpu.memref_squeeze %dma_wait3A_80 : memref<1x2x128xi32, #tpu.memory_space<hbm>> -> memref<2x128xi32, #tpu.memory_space<hbm>>
      %dma_wait3A_82 = arith.constant 0 : i32
      %dma_wait3A_83 = arith.constant 0 : i32
      %dma_wait3A_84 = tpu.memref_slice %arg3[%add3A_10, %dma_wait3A_82, %dma_wait3A_83] : memref<2500x2x128xi32, #tpu.memory_space<hbm>> -> memref<1x2x128xi32, #tpu.memory_space<hbm>>
      %dma_wait3A_85 = tpu.memref_squeeze %dma_wait3A_84 : memref<1x2x128xi32, #tpu.memory_space<hbm>> -> memref<2x128xi32, #tpu.memory_space<hbm>>
      tpu.wait_dma2 semaphore(%run_scoped3A : memref<!tpu.dma_semaphore, #tpu.memory_space<semaphore_mem>>) src(%dma_wait3A_85 : memref<2x128xi32, #tpu.memory_space<hbm>>) dst(%arg8 : memref<2x128xi32, #tpu.memory_space<vmem>>)
      tpu.yield
    }) : () -> ()
    %dma_start3A_11 = arith.constant 0 : i32
    %dma_start3A_12 = arith.constant 0 : i32
    %dma_start3A_13 = tpu.memref_slice %arg8[%dma_start3A_11, %dma_start3A_12] : memref<2x128xi32, #tpu.memory_space<vmem>> -> memref<1x128xi32, #tpu.memory_space<vmem>>
    %dma_start3A_14 = tpu.memref_squeeze %dma_start3A_13 : memref<1x128xi32, #tpu.memory_space<vmem>> -> memref<128xi32, #tpu.memory_space<vmem>>
    %dma_start3A_15 = arith.constant 0 : i32
    %dma_start3A_16 = arith.constant 0 : i32
    %dma_start3A_17 = tpu.memref_slice %arg2[%dma_start3A_15, %dma_start3A_16] : memref<10000x128xf32, #tpu.memory_space<hbm>> -> memref<10000x128xf32, #tpu.memory_space<hbm>>
    tpu.enqueue_indirect_dma source(%dma_start3A_17 : memref<10000x128xf32, #tpu.memory_space<hbm>>) target(%arg10 : memref<128x128xf32, #tpu.memory_space<vmem>>) offsets(%dma_start3A_14 : memref<128xi32, #tpu.memory_space<vmem>>) semaphore(%arg12 : memref<!tpu.dma_semaphore, #tpu.memory_space<semaphore_mem>>)
    %scan3A = arith.constant 0 : i32
    %scan3A_18 = arith.constant 38 : i32
    %scan3A_19 = arith.addi %scan3A, %scan3A_18 : i32
    %scan3A_20 = arith.constant 1 : i32
    scf.for %scan3A_70 = %scan3A to %scan3A_19 step %scan3A_20  : i32 {
      %mul3A_71 = arith.constant 1 : i32
      %mul3A_72 = arith.muli %scan3A_70, %mul3A_71 : i32
      %add3A_73 = arith.constant 0 : i32
      %add3A_74 = arith.addi %add3A_73, %mul3A_72 : i32
      %mul3A_75 = arith.constant 2 : i32
      %mul3A_76 = arith.muli %mul3A_75, %add3A_74 : i32
      %dma_wait3A_77 = arith.constant 0 : i32
      %dma_wait3A_78 = arith.constant 0 : i32
      %dma_wait3A_79 = tpu.memref_slice %arg7[%dma_wait3A_77, %dma_wait3A_78] : memref<2x128xi32, #tpu.memory_space<vmem>> -> memref<1x128xi32, #tpu.memory_space<vmem>>
      %dma_wait3A_80 = tpu.memref_squeeze %dma_wait3A_79 : memref<1x128xi32, #tpu.memory_space<vmem>> -> memref<128xi32, #tpu.memory_space<vmem>>
      %dma_wait3A_81 = arith.constant 0 : i32
      %dma_wait3A_82 = arith.constant 0 : i32
      %dma_wait3A_83 = tpu.memref_slice %arg2[%dma_wait3A_81, %dma_wait3A_82] : memref<10000x128xf32, #tpu.memory_space<hbm>> -> memref<10000x128xf32, #tpu.memory_space<hbm>>
      tpu.wait_indirect_dma semaphore(%arg11 : memref<!tpu.dma_semaphore, #tpu.memory_space<semaphore_mem>>) src(%dma_wait3A_83 : memref<10000x128xf32, #tpu.memory_space<hbm>>) dst(%arg9 : memref<128x128xf32, #tpu.memory_space<vmem>>)
      %dma_start3A_84 = arith.constant 1 : i32
      %dma_start3A_85 = arith.constant 0 : i32
      %dma_start3A_86 = tpu.memref_slice %arg7[%dma_start3A_84, %dma_start3A_85] : memref<2x128xi32, #tpu.memory_space<vmem>> -> memref<1x128xi32, #tpu.memory_space<vmem>>
      %dma_start3A_87 = tpu.memref_squeeze %dma_start3A_86 : memref<1x128xi32, #tpu.memory_space<vmem>> -> memref<128xi32, #tpu.memory_space<vmem>>
      %dma_start3A_88 = arith.constant 0 : i32
      %dma_start3A_89 = arith.constant 0 : i32
      %dma_start3A_90 = tpu.memref_slice %arg6[%dma_start3A_88, %dma_start3A_89] : memref<10240x128xf32, #tpu.memory_space<vmem_shared>> -> memref<10240x128xf32, #tpu.memory_space<vmem_shared>>
      tpu.enqueue_indirect_dma source(%arg9 : memref<128x128xf32, #tpu.memory_space<vmem>>) target(%dma_start3A_90 : memref<10240x128xf32, #tpu.memory_space<vmem_shared>>) offsets(%dma_start3A_87 : memref<128xi32, #tpu.memory_space<vmem>>) semaphore(%arg13 : memref<!tpu.dma_semaphore, #tpu.memory_space<semaphore_mem>>) {add = true}
      %dma_wait3A_91 = arith.constant 0 : i32
      %dma_wait3A_92 = arith.constant 0 : i32
      %dma_wait3A_93 = tpu.memref_slice %arg8[%dma_wait3A_91, %dma_wait3A_92] : memref<2x128xi32, #tpu.memory_space<vmem>> -> memref<1x128xi32, #tpu.memory_space<vmem>>
      %dma_wait3A_94 = tpu.memref_squeeze %dma_wait3A_93 : memref<1x128xi32, #tpu.memory_space<vmem>> -> memref<128xi32, #tpu.memory_space<vmem>>
      %dma_wait3A_95 = arith.constant 0 : i32
      %dma_wait3A_96 = arith.constant 0 : i32
      %dma_wait3A_97 = tpu.memref_slice %arg2[%dma_wait3A_95, %dma_wait3A_96] : memref<10000x128xf32, #tpu.memory_space<hbm>> -> memref<10000x128xf32, #tpu.memory_space<hbm>>
      tpu.wait_indirect_dma semaphore(%arg12 : memref<!tpu.dma_semaphore, #tpu.memory_space<semaphore_mem>>) src(%dma_wait3A_97 : memref<10000x128xf32, #tpu.memory_space<hbm>>) dst(%arg10 : memref<128x128xf32, #tpu.memory_space<vmem>>)
      %dma_start3A_98 = arith.constant 1 : i32
      %dma_start3A_99 = arith.constant 0 : i32
      %dma_start3A_100 = tpu.memref_slice %arg8[%dma_start3A_98, %dma_start3A_99] : memref<2x128xi32, #tpu.memory_space<vmem>> -> memref<1x128xi32, #tpu.memory_space<vmem>>
      %dma_start3A_101 = tpu.memref_squeeze %dma_start3A_100 : memref<1x128xi32, #tpu.memory_space<vmem>> -> memref<128xi32, #tpu.memory_space<vmem>>
      %dma_start3A_102 = arith.constant 0 : i32
      %dma_start3A_103 = arith.constant 0 : i32
      %dma_start3A_104 = tpu.memref_slice %arg6[%dma_start3A_102, %dma_start3A_103] : memref<10240x128xf32, #tpu.memory_space<vmem_shared>> -> memref<10240x128xf32, #tpu.memory_space<vmem_shared>>
      tpu.enqueue_indirect_dma source(%arg10 : memref<128x128xf32, #tpu.memory_space<vmem>>) target(%dma_start3A_104 : memref<10240x128xf32, #tpu.memory_space<vmem_shared>>) offsets(%dma_start3A_101 : memref<128xi32, #tpu.memory_space<vmem>>) semaphore(%arg14 : memref<!tpu.dma_semaphore, #tpu.memory_space<semaphore_mem>>) {add = true}
      %dma_wait3A_105 = arith.constant 1 : i32
      %dma_wait3A_106 = arith.constant 0 : i32
      %dma_wait3A_107 = tpu.memref_slice %arg7[%dma_wait3A_105, %dma_wait3A_106] : memref<2x128xi32, #tpu.memory_space<vmem>> -> memref<1x128xi32, #tpu.memory_space<vmem>>
      %dma_wait3A_108 = tpu.memref_squeeze %dma_wait3A_107 : memref<1x128xi32, #tpu.memory_space<vmem>> -> memref<128xi32, #tpu.memory_space<vmem>>
      %dma_wait3A_109 = arith.constant 0 : i32
      %dma_wait3A_110 = arith.constant 0 : i32
      %dma_wait3A_111 = tpu.memref_slice %arg6[%dma_wait3A_109, %dma_wait3A_110] : memref<10240x128xf32, #tpu.memory_space<vmem_shared>> -> memref<10240x128xf32, #tpu.memory_space<vmem_shared>>
      tpu.wait_indirect_dma semaphore(%arg13 : memref<!tpu.dma_semaphore, #tpu.memory_space<semaphore_mem>>) src(%arg9 : memref<128x128xf32, #tpu.memory_space<vmem>>) dst(%dma_wait3A_111 : memref<10240x128xf32, #tpu.memory_space<vmem_shared>>)
      %add3A_112 = arith.constant 2 : i32
      %add3A_113 = arith.addi %mul3A_76, %add3A_112 : i32
      %mul3A_114 = arith.constant 32 : i32
      %mul3A_115 = arith.muli %add3A_113, %mul3A_114 : i32
      %add3A_116 = arith.addi %add3A, %mul3A_115 : i32
      "tpu.region"() ({
        %run_scoped3A = tpu.sem_alloc : memref<!tpu.dma_semaphore, #tpu.memory_space<semaphore_mem>>
        %dma_start3A_143 = arith.constant 0 : i32
        %dma_start3A_144 = arith.constant 0 : i32
        %dma_start3A_145 = tpu.memref_slice %arg3[%add3A_116, %dma_start3A_143, %dma_start3A_144] : memref<2500x2x128xi32, #tpu.memory_space<hbm>> -> memref<1x2x128xi32, #tpu.memory_space<hbm>>
        %dma_start3A_146 = tpu.memref_squeeze %dma_start3A_145 : memref<1x2x128xi32, #tpu.memory_space<hbm>> -> memref<2x128xi32, #tpu.memory_space<hbm>>
        %dma_start3A_147 = arith.constant 0 : i32
        %dma_start3A_148 = arith.constant 0 : i32
        %dma_start3A_149 = tpu.memref_slice %arg3[%add3A_116, %dma_start3A_147, %dma_start3A_148] : memref<2500x2x128xi32, #tpu.memory_space<hbm>> -> memref<1x2x128xi32, #tpu.memory_space<hbm>>
        %dma_start3A_150 = tpu.memref_squeeze %dma_start3A_149 : memref<1x2x128xi32, #tpu.memory_space<hbm>> -> memref<2x128xi32, #tpu.memory_space<hbm>>
        tpu.enqueue_dma source(%dma_start3A_150 : memref<2x128xi32, #tpu.memory_space<hbm>>) target(%arg7 : memref<2x128xi32, #tpu.memory_space<vmem>>) target_semaphore(%run_scoped3A : memref<!tpu.dma_semaphore, #tpu.memory_space<semaphore_mem>>)
        %dma_wait3A_151 = arith.constant 0 : i32
        %dma_wait3A_152 = arith.constant 0 : i32
        %dma_wait3A_153 = tpu.memref_slice %arg3[%add3A_116, %dma_wait3A_151, %dma_wait3A_152] : memref<2500x2x128xi32, #tpu.memory_space<hbm>> -> memref<1x2x128xi32, #tpu.memory_space<hbm>>
        %dma_wait3A_154 = tpu.memref_squeeze %dma_wait3A_153 : memref<1x2x128xi32, #tpu.memory_space<hbm>> -> memref<2x128xi32, #tpu.memory_space<hbm>>
        %dma_wait3A_155 = arith.constant 0 : i32
        %dma_wait3A_156 = arith.constant 0 : i32
        %dma_wait3A_157 = tpu.memref_slice %arg3[%add3A_116, %dma_wait3A_155, %dma_wait3A_156] : memref<2500x2x128xi32, #tpu.memory_space<hbm>> -> memref<1x2x128xi32, #tpu.memory_space<hbm>>
        %dma_wait3A_158 = tpu.memref_squeeze %dma_wait3A_157 : memref<1x2x128xi32, #tpu.memory_space<hbm>> -> memref<2x128xi32, #tpu.memory_space<hbm>>
        tpu.wait_dma2 semaphore(%run_scoped3A : memref<!tpu.dma_semaphore, #tpu.memory_space<semaphore_mem>>) src(%dma_wait3A_158 : memref<2x128xi32, #tpu.memory_space<hbm>>) dst(%arg7 : memref<2x128xi32, #tpu.memory_space<vmem>>)
        tpu.yield
      }) : () -> ()
      %dma_start3A_117 = arith.constant 0 : i32
      %dma_start3A_118 = arith.constant 0 : i32
      %dma_start3A_119 = tpu.memref_slice %arg7[%dma_start3A_117, %dma_start3A_118] : memref<2x128xi32, #tpu.memory_space<vmem>> -> memref<1x128xi32, #tpu.memory_space<vmem>>
      %dma_start3A_120 = tpu.memref_squeeze %dma_start3A_119 : memref<1x128xi32, #tpu.memory_space<vmem>> -> memref<128xi32, #tpu.memory_space<vmem>>
      %dma_start3A_121 = arith.constant 0 : i32
      %dma_start3A_122 = arith.constant 0 : i32
      %dma_start3A_123 = tpu.memref_slice %arg2[%dma_start3A_121, %dma_start3A_122] : memref<10000x128xf32, #tpu.memory_space<hbm>> -> memref<10000x128xf32, #tpu.memory_space<hbm>>
      tpu.enqueue_indirect_dma source(%dma_start3A_123 : memref<10000x128xf32, #tpu.memory_space<hbm>>) target(%arg9 : memref<128x128xf32, #tpu.memory_space<vmem>>) offsets(%dma_start3A_120 : memref<128xi32, #tpu.memory_space<vmem>>) semaphore(%arg11 : memref<!tpu.dma_semaphore, #tpu.memory_space<semaphore_mem>>)
      %dma_wait3A_124 = arith.constant 1 : i32
      %dma_wait3A_125 = arith.constant 0 : i32
      %dma_wait3A_126 = tpu.memref_slice %arg8[%dma_wait3A_124, %dma_wait3A_125] : memref<2x128xi32, #tpu.memory_space<vmem>> -> memref<1x128xi32, #tpu.memory_space<vmem>>
      %dma_wait3A_127 = tpu.memref_squeeze %dma_wait3A_126 : memref<1x128xi32, #tpu.memory_space<vmem>> -> memref<128xi32, #tpu.memory_space<vmem>>
      %dma_wait3A_128 = arith.constant 0 : i32
      %dma_wait3A_129 = arith.constant 0 : i32
      %dma_wait3A_130 = tpu.memref_slice %arg6[%dma_wait3A_128, %dma_wait3A_129] : memref<10240x128xf32, #tpu.memory_space<vmem_shared>> -> memref<10240x128xf32, #tpu.memory_space<vmem_shared>>
      tpu.wait_indirect_dma semaphore(%arg14 : memref<!tpu.dma_semaphore, #tpu.memory_space<semaphore_mem>>) src(%arg10 : memref<128x128xf32, #tpu.memory_space<vmem>>) dst(%dma_wait3A_130 : memref<10240x128xf32, #tpu.memory_space<vmem_shared>>)
      %add3A_131 = arith.constant 3 : i32
      %add3A_132 = arith.addi %mul3A_76, %add3A_131 : i32
      %mul3A_133 = arith.constant 32 : i32
      %mul3A_134 = arith.muli %add3A_132, %mul3A_133 : i32
      %add3A_135 = arith.addi %add3A, %mul3A_134 : i32
      "tpu.region"() ({
        %run_scoped3A = tpu.sem_alloc : memref<!tpu.dma_semaphore, #tpu.memory_space<semaphore_mem>>
        %dma_start3A_143 = arith.constant 0 : i32
        %dma_start3A_144 = arith.constant 0 : i32
        %dma_start3A_145 = tpu.memref_slice %arg3[%add3A_135, %dma_start3A_143, %dma_start3A_144] : memref<2500x2x128xi32, #tpu.memory_space<hbm>> -> memref<1x2x128xi32, #tpu.memory_space<hbm>>
        %dma_start3A_146 = tpu.memref_squeeze %dma_start3A_145 : memref<1x2x128xi32, #tpu.memory_space<hbm>> -> memref<2x128xi32, #tpu.memory_space<hbm>>
        %dma_start3A_147 = arith.constant 0 : i32
        %dma_start3A_148 = arith.constant 0 : i32
        %dma_start3A_149 = tpu.memref_slice %arg3[%add3A_135, %dma_start3A_147, %dma_start3A_148] : memref<2500x2x128xi32, #tpu.memory_space<hbm>> -> memref<1x2x128xi32, #tpu.memory_space<hbm>>
        %dma_start3A_150 = tpu.memref_squeeze %dma_start3A_149 : memref<1x2x128xi32, #tpu.memory_space<hbm>> -> memref<2x128xi32, #tpu.memory_space<hbm>>
        tpu.enqueue_dma source(%dma_start3A_150 : memref<2x128xi32, #tpu.memory_space<hbm>>) target(%arg8 : memref<2x128xi32, #tpu.memory_space<vmem>>) target_semaphore(%run_scoped3A : memref<!tpu.dma_semaphore, #tpu.memory_space<semaphore_mem>>)
        %dma_wait3A_151 = arith.constant 0 : i32
        %dma_wait3A_152 = arith.constant 0 : i32
        %dma_wait3A_153 = tpu.memref_slice %arg3[%add3A_135, %dma_wait3A_151, %dma_wait3A_152] : memref<2500x2x128xi32, #tpu.memory_space<hbm>> -> memref<1x2x128xi32, #tpu.memory_space<hbm>>
        %dma_wait3A_154 = tpu.memref_squeeze %dma_wait3A_153 : memref<1x2x128xi32, #tpu.memory_space<hbm>> -> memref<2x128xi32, #tpu.memory_space<hbm>>
        %dma_wait3A_155 = arith.constant 0 : i32
        %dma_wait3A_156 = arith.constant 0 : i32
        %dma_wait3A_157 = tpu.memref_slice %arg3[%add3A_135, %dma_wait3A_155, %dma_wait3A_156] : memref<2500x2x128xi32, #tpu.memory_space<hbm>> -> memref<1x2x128xi32, #tpu.memory_space<hbm>>
        %dma_wait3A_158 = tpu.memref_squeeze %dma_wait3A_157 : memref<1x2x128xi32, #tpu.memory_space<hbm>> -> memref<2x128xi32, #tpu.memory_space<hbm>>
        tpu.wait_dma2 semaphore(%run_scoped3A : memref<!tpu.dma_semaphore, #tpu.memory_space<semaphore_mem>>) src(%dma_wait3A_158 : memref<2x128xi32, #tpu.memory_space<hbm>>) dst(%arg8 : memref<2x128xi32, #tpu.memory_space<vmem>>)
        tpu.yield
      }) : () -> ()
      %dma_start3A_136 = arith.constant 0 : i32
      %dma_start3A_137 = arith.constant 0 : i32
      %dma_start3A_138 = tpu.memref_slice %arg8[%dma_start3A_136, %dma_start3A_137] : memref<2x128xi32, #tpu.memory_space<vmem>> -> memref<1x128xi32, #tpu.memory_space<vmem>>
      %dma_start3A_139 = tpu.memref_squeeze %dma_start3A_138 : memref<1x128xi32, #tpu.memory_space<vmem>> -> memref<128xi32, #tpu.memory_space<vmem>>
      %dma_start3A_140 = arith.constant 0 : i32
      %dma_start3A_141 = arith.constant 0 : i32
      %dma_start3A_142 = tpu.memref_slice %arg2[%dma_start3A_140, %dma_start3A_141] : memref<10000x128xf32, #tpu.memory_space<hbm>> -> memref<10000x128xf32, #tpu.memory_space<hbm>>
      tpu.enqueue_indirect_dma source(%dma_start3A_142 : memref<10000x128xf32, #tpu.memory_space<hbm>>) target(%arg10 : memref<128x128xf32, #tpu.memory_space<vmem>>) offsets(%dma_start3A_139 : memref<128xi32, #tpu.memory_space<vmem>>) semaphore(%arg12 : memref<!tpu.dma_semaphore, #tpu.memory_space<semaphore_mem>>)
    }
    %scan3A_21 = arith.constant 38 : i32
    %dma_wait3A = arith.constant 0 : i32
    %dma_wait3A_22 = arith.constant 0 : i32
    %dma_wait3A_23 = tpu.memref_slice %arg7[%dma_wait3A, %dma_wait3A_22] : memref<2x128xi32, #tpu.memory_space<vmem>> -> memref<1x128xi32, #tpu.memory_space<vmem>>
    %dma_wait3A_24 = tpu.memref_squeeze %dma_wait3A_23 : memref<1x128xi32, #tpu.memory_space<vmem>> -> memref<128xi32, #tpu.memory_space<vmem>>
    %dma_wait3A_25 = arith.constant 0 : i32
    %dma_wait3A_26 = arith.constant 0 : i32
    %dma_wait3A_27 = tpu.memref_slice %arg2[%dma_wait3A_25, %dma_wait3A_26] : memref<10000x128xf32, #tpu.memory_space<hbm>> -> memref<10000x128xf32, #tpu.memory_space<hbm>>
    tpu.wait_indirect_dma semaphore(%arg11 : memref<!tpu.dma_semaphore, #tpu.memory_space<semaphore_mem>>) src(%dma_wait3A_27 : memref<10000x128xf32, #tpu.memory_space<hbm>>) dst(%arg9 : memref<128x128xf32, #tpu.memory_space<vmem>>)
    %dma_start3A_28 = arith.constant 1 : i32
    %dma_start3A_29 = arith.constant 0 : i32
    %dma_start3A_30 = tpu.memref_slice %arg7[%dma_start3A_28, %dma_start3A_29] : memref<2x128xi32, #tpu.memory_space<vmem>> -> memref<1x128xi32, #tpu.memory_space<vmem>>
    %dma_start3A_31 = tpu.memref_squeeze %dma_start3A_30 : memref<1x128xi32, #tpu.memory_space<vmem>> -> memref<128xi32, #tpu.memory_space<vmem>>
    %dma_start3A_32 = arith.constant 0 : i32
    %dma_start3A_33 = arith.constant 0 : i32
    %dma_start3A_34 = tpu.memref_slice %arg6[%dma_start3A_32, %dma_start3A_33] : memref<10240x128xf32, #tpu.memory_space<vmem_shared>> -> memref<10240x128xf32, #tpu.memory_space<vmem_shared>>
    tpu.enqueue_indirect_dma source(%arg9 : memref<128x128xf32, #tpu.memory_space<vmem>>) target(%dma_start3A_34 : memref<10240x128xf32, #tpu.memory_space<vmem_shared>>) offsets(%dma_start3A_31 : memref<128xi32, #tpu.memory_space<vmem>>) semaphore(%arg13 : memref<!tpu.dma_semaphore, #tpu.memory_space<semaphore_mem>>) {add = true}
    %dma_wait3A_35 = arith.constant 0 : i32
    %dma_wait3A_36 = arith.constant 0 : i32
    %dma_wait3A_37 = tpu.memref_slice %arg8[%dma_wait3A_35, %dma_wait3A_36] : memref<2x128xi32, #tpu.memory_space<vmem>> -> memref<1x128xi32, #tpu.memory_space<vmem>>
    %dma_wait3A_38 = tpu.memref_squeeze %dma_wait3A_37 : memref<1x128xi32, #tpu.memory_space<vmem>> -> memref<128xi32, #tpu.memory_space<vmem>>
    %dma_wait3A_39 = arith.constant 0 : i32
    %dma_wait3A_40 = arith.constant 0 : i32
    %dma_wait3A_41 = tpu.memref_slice %arg2[%dma_wait3A_39, %dma_wait3A_40] : memref<10000x128xf32, #tpu.memory_space<hbm>> -> memref<10000x128xf32, #tpu.memory_space<hbm>>
    tpu.wait_indirect_dma semaphore(%arg12 : memref<!tpu.dma_semaphore, #tpu.memory_space<semaphore_mem>>) src(%dma_wait3A_41 : memref<10000x128xf32, #tpu.memory_space<hbm>>) dst(%arg10 : memref<128x128xf32, #tpu.memory_space<vmem>>)
    %dma_start3A_42 = arith.constant 1 : i32
    %dma_start3A_43 = arith.constant 0 : i32
    %dma_start3A_44 = tpu.memref_slice %arg8[%dma_start3A_42, %dma_start3A_43] : memref<2x128xi32, #tpu.memory_space<vmem>> -> memref<1x128xi32, #tpu.memory_space<vmem>>
    %dma_start3A_45 = tpu.memref_squeeze %dma_start3A_44 : memref<1x128xi32, #tpu.memory_space<vmem>> -> memref<128xi32, #tpu.memory_space<vmem>>
    %dma_start3A_46 = arith.constant 0 : i32
    %dma_start3A_47 = arith.constant 0 : i32
    %dma_start3A_48 = tpu.memref_slice %arg6[%dma_start3A_46, %dma_start3A_47] : memref<10240x128xf32, #tpu.memory_space<vmem_shared>> -> memref<10240x128xf32, #tpu.memory_space<vmem_shared>>
    tpu.enqueue_indirect_dma source(%arg10 : memref<128x128xf32, #tpu.memory_space<vmem>>) target(%dma_start3A_48 : memref<10240x128xf32, #tpu.memory_space<vmem_shared>>) offsets(%dma_start3A_45 : memref<128xi32, #tpu.memory_space<vmem>>) semaphore(%arg14 : memref<!tpu.dma_semaphore, #tpu.memory_space<semaphore_mem>>) {add = true}
    %dma_wait3A_49 = arith.constant 1 : i32
    %dma_wait3A_50 = arith.constant 0 : i32
    %dma_wait3A_51 = tpu.memref_slice %arg7[%dma_wait3A_49, %dma_wait3A_50] : memref<2x128xi32, #tpu.memory_space<vmem>> -> memref<1x128xi32, #tpu.memory_space<vmem>>
    %dma_wait3A_52 = tpu.memref_squeeze %dma_wait3A_51 : memref<1x128xi32, #tpu.memory_space<vmem>> -> memref<128xi32, #tpu.memory_space<vmem>>
    %dma_wait3A_53 = arith.constant 0 : i32
    %dma_wait3A_54 = arith.constant 0 : i32
    %dma_wait3A_55 = tpu.memref_slice %arg6[%dma_wait3A_53, %dma_wait3A_54] : memref<10240x128xf32, #tpu.memory_space<vmem_shared>> -> memref<10240x128xf32, #tpu.memory_space<vmem_shared>>
    tpu.wait_indirect_dma semaphore(%arg13 : memref<!tpu.dma_semaphore, #tpu.memory_space<semaphore_mem>>) src(%arg9 : memref<128x128xf32, #tpu.memory_space<vmem>>) dst(%dma_wait3A_55 : memref<10240x128xf32, #tpu.memory_space<vmem_shared>>)
    %dma_wait3A_56 = arith.constant 1 : i32
    %dma_wait3A_57 = arith.constant 0 : i32
    %dma_wait3A_58 = tpu.memref_slice %arg8[%dma_wait3A_56, %dma_wait3A_57] : memref<2x128xi32, #tpu.memory_space<vmem>> -> memref<1x128xi32, #tpu.memory_space<vmem>>
    %dma_wait3A_59 = tpu.memref_squeeze %dma_wait3A_58 : memref<1x128xi32, #tpu.memory_space<vmem>> -> memref<128xi32, #tpu.memory_space<vmem>>
    %dma_wait3A_60 = arith.constant 0 : i32
    %dma_wait3A_61 = arith.constant 0 : i32
    %dma_wait3A_62 = tpu.memref_slice %arg6[%dma_wait3A_60, %dma_wait3A_61] : memref<10240x128xf32, #tpu.memory_space<vmem_shared>> -> memref<10240x128xf32, #tpu.memory_space<vmem_shared>>
    tpu.wait_indirect_dma semaphore(%arg14 : memref<!tpu.dma_semaphore, #tpu.memory_space<semaphore_mem>>) src(%arg10 : memref<128x128xf32, #tpu.memory_space<vmem>>) dst(%dma_wait3A_62 : memref<10240x128xf32, #tpu.memory_space<vmem_shared>>)
    %lt3A = arith.constant 4 : i32
    %lt3A_63 = arith.cmpi slt, %add3A, %lt3A : i32
    %convert_element_type3A = arith.extui %lt3A_63 : i1 to i32
    %cond3A = arith.constant 0 : i32
    %cond3A_64 = arith.cmpi ne, %convert_element_type3A, %cond3A : i32
    scf.if %cond3A_64 {
      %add3A_70 = arith.constant 2496 : i32
      %add3A_71 = arith.addi %add3A_70, %add3A : i32
      "tpu.region"() ({
        %run_scoped3A_86 = tpu.sem_alloc : memref<!tpu.dma_semaphore, #tpu.memory_space<semaphore_mem>>
        %dma_start3A_87 = arith.constant 0 : i32
        %dma_start3A_88 = arith.constant 0 : i32
        %dma_start3A_89 = tpu.memref_slice %arg3[%add3A_71, %dma_start3A_87, %dma_start3A_88] : memref<2500x2x128xi32, #tpu.memory_space<hbm>> -> memref<1x2x128xi32, #tpu.memory_space<hbm>>
        %dma_start3A_90 = tpu.memref_squeeze %dma_start3A_89 : memref<1x2x128xi32, #tpu.memory_space<hbm>> -> memref<2x128xi32, #tpu.memory_space<hbm>>
        %dma_start3A_91 = arith.constant 0 : i32
        %dma_start3A_92 = arith.constant 0 : i32
        %dma_start3A_93 = tpu.memref_slice %arg3[%add3A_71, %dma_start3A_91, %dma_start3A_92] : memref<2500x2x128xi32, #tpu.memory_space<hbm>> -> memref<1x2x128xi32, #tpu.memory_space<hbm>>
        %dma_start3A_94 = tpu.memref_squeeze %dma_start3A_93 : memref<1x2x128xi32, #tpu.memory_space<hbm>> -> memref<2x128xi32, #tpu.memory_space<hbm>>
        tpu.enqueue_dma source(%dma_start3A_94 : memref<2x128xi32, #tpu.memory_space<hbm>>) target(%arg7 : memref<2x128xi32, #tpu.memory_space<vmem>>) target_semaphore(%run_scoped3A_86 : memref<!tpu.dma_semaphore, #tpu.memory_space<semaphore_mem>>)
        %dma_wait3A_95 = arith.constant 0 : i32
        %dma_wait3A_96 = arith.constant 0 : i32
        %dma_wait3A_97 = tpu.memref_slice %arg3[%add3A_71, %dma_wait3A_95, %dma_wait3A_96] : memref<2500x2x128xi32, #tpu.memory_space<hbm>> -> memref<1x2x128xi32, #tpu.memory_space<hbm>>
        %dma_wait3A_98 = tpu.memref_squeeze %dma_wait3A_97 : memref<1x2x128xi32, #tpu.memory_space<hbm>> -> memref<2x128xi32, #tpu.memory_space<hbm>>
        %dma_wait3A_99 = arith.constant 0 : i32
        %dma_wait3A_100 = arith.constant 0 : i32
        %dma_wait3A_101 = tpu.memref_slice %arg3[%add3A_71, %dma_wait3A_99, %dma_wait3A_100] : memref<2500x2x128xi32, #tpu.memory_space<hbm>> -> memref<1x2x128xi32, #tpu.memory_space<hbm>>
        %dma_wait3A_102 = tpu.memref_squeeze %dma_wait3A_101 : memref<1x2x128xi32, #tpu.memory_space<hbm>> -> memref<2x128xi32, #tpu.memory_space<hbm>>
        tpu.wait_dma2 semaphore(%run_scoped3A_86 : memref<!tpu.dma_semaphore, #tpu.memory_space<semaphore_mem>>) src(%dma_wait3A_102 : memref<2x128xi32, #tpu.memory_space<hbm>>) dst(%arg7 : memref<2x128xi32, #tpu.memory_space<vmem>>)
        tpu.yield
      }) : () -> ()
      %dma_start3A_72 = arith.constant 0 : i32
      %dma_start3A_73 = arith.constant 0 : i32
      %dma_start3A_74 = tpu.memref_slice %arg7[%dma_start3A_72, %dma_start3A_73] : memref<2x128xi32, #tpu.memory_space<vmem>> -> memref<1x128xi32, #tpu.memory_space<vmem>>
      %dma_start3A_75 = tpu.memref_squeeze %dma_start3A_74 : memref<1x128xi32, #tpu.memory_space<vmem>> -> memref<128xi32, #tpu.memory_space<vmem>>
      %dma_start3A_76 = arith.constant 0 : i32
      %dma_start3A_77 = arith.constant 0 : i32
      %dma_start3A_78 = tpu.memref_slice %arg2[%dma_start3A_76, %dma_start3A_77] : memref<10000x128xf32, #tpu.memory_space<hbm>> -> memref<10000x128xf32, #tpu.memory_space<hbm>>
      tpu.enqueue_indirect_dma source(%dma_start3A_78 : memref<10000x128xf32, #tpu.memory_space<hbm>>) target(%arg9 : memref<128x128xf32, #tpu.memory_space<vmem>>) offsets(%dma_start3A_75 : memref<128xi32, #tpu.memory_space<vmem>>) semaphore(%arg11 : memref<!tpu.dma_semaphore, #tpu.memory_space<semaphore_mem>>)
      %dma_wait3A_79 = arith.constant 0 : i32
      %dma_wait3A_80 = arith.constant 0 : i32
      %dma_wait3A_81 = tpu.memref_slice %arg7[%dma_wait3A_79, %dma_wait3A_80] : memref<2x128xi32, #tpu.memory_space<vmem>> -> memref<1x128xi32, #tpu.memory_space<vmem>>
      %dma_wait3A_82 = tpu.memref_squeeze %dma_wait3A_81 : memref<1x128xi32, #tpu.memory_space<vmem>> -> memref<128xi32, #tpu.memory_space<vmem>>
      %dma_wait3A_83 = arith.constant 0 : i32
      %dma_wait3A_84 = arith.constant 0 : i32
      %dma_wait3A_85 = tpu.memref_slice %arg2[%dma_wait3A_83, %dma_wait3A_84] : memref<10000x128xf32, #tpu.memory_space<hbm>> -> memref<10000x128xf32, #tpu.memory_space<hbm>>
      tpu.wait_indirect_dma semaphore(%arg11 : memref<!tpu.dma_semaphore, #tpu.memory_space<semaphore_mem>>) src(%dma_wait3A_85 : memref<10000x128xf32, #tpu.memory_space<hbm>>) dst(%arg9 : memref<128x128xf32, #tpu.memory_space<vmem>>)
      %run_scoped3A = arith.constant 1 : i32
      "tpu.region"() ({
        %run_scoped3A_86 = tpu.sem_alloc : memref<!tpu.dma_semaphore, #tpu.memory_space<semaphore_mem>>
        %dma_start3A_87 = arith.constant 0 : i32
        %dma_start3A_88 = tpu.memref_slice %arg7[%run_scoped3A, %dma_start3A_87] : memref<2x128xi32, #tpu.memory_space<vmem>> -> memref<1x128xi32, #tpu.memory_space<vmem>>
        %dma_start3A_89 = tpu.memref_squeeze %dma_start3A_88 : memref<1x128xi32, #tpu.memory_space<vmem>> -> memref<128xi32, #tpu.memory_space<vmem>>
        %dma_start3A_90 = arith.constant 0 : i32
        %dma_start3A_91 = arith.constant 0 : i32
        %dma_start3A_92 = tpu.memref_slice %arg6[%dma_start3A_90, %dma_start3A_91] : memref<10240x128xf32, #tpu.memory_space<vmem_shared>> -> memref<10240x128xf32, #tpu.memory_space<vmem_shared>>
        tpu.enqueue_indirect_dma source(%arg9 : memref<128x128xf32, #tpu.memory_space<vmem>>) target(%dma_start3A_92 : memref<10240x128xf32, #tpu.memory_space<vmem_shared>>) offsets(%dma_start3A_89 : memref<128xi32, #tpu.memory_space<vmem>>) semaphore(%run_scoped3A_86 : memref<!tpu.dma_semaphore, #tpu.memory_space<semaphore_mem>>) {add = true}
        %dma_wait3A_93 = arith.constant 0 : i32
        %dma_wait3A_94 = tpu.memref_slice %arg7[%run_scoped3A, %dma_wait3A_93] : memref<2x128xi32, #tpu.memory_space<vmem>> -> memref<1x128xi32, #tpu.memory_space<vmem>>
        %dma_wait3A_95 = tpu.memref_squeeze %dma_wait3A_94 : memref<1x128xi32, #tpu.memory_space<vmem>> -> memref<128xi32, #tpu.memory_space<vmem>>
        %dma_wait3A_96 = arith.constant 0 : i32
        %dma_wait3A_97 = arith.constant 0 : i32
        %dma_wait3A_98 = tpu.memref_slice %arg6[%dma_wait3A_96, %dma_wait3A_97] : memref<10240x128xf32, #tpu.memory_space<vmem_shared>> -> memref<10240x128xf32, #tpu.memory_space<vmem_shared>>
        tpu.wait_indirect_dma semaphore(%run_scoped3A_86 : memref<!tpu.dma_semaphore, #tpu.memory_space<semaphore_mem>>) src(%arg9 : memref<128x128xf32, #tpu.memory_space<vmem>>) dst(%dma_wait3A_98 : memref<10240x128xf32, #tpu.memory_space<vmem_shared>>)
        tpu.yield
      }) : () -> ()
    } else {
    }
    %barrier3A_65 = arith.constant 0 : index
    tpu.barrier barrier_id(%barrier3A_65)
    %mul3A_66 = arith.constant 640 : i32
    %mul3A_67 = arith.muli %arg1, %mul3A_66 : i32
    %mul3A_68 = arith.constant 640 : i32
    %mul3A_69 = arith.muli %arg1, %mul3A_68 : i32
    "tpu.region"() ({
      %run_scoped3A = tpu.sem_alloc : memref<!tpu.dma_semaphore, #tpu.memory_space<semaphore_mem>>
      %dma_start3A_70 = arith.constant 0 : i32
      %dma_start3A_71 = tpu.memref_slice %arg5[%arg0, %mul3A_69, %dma_start3A_70] : memref<2x10240x128xf32, #tpu.memory_space<hbm>> -> memref<1x640x128xf32, #tpu.memory_space<hbm>>
      %dma_start3A_72 = tpu.memref_squeeze %dma_start3A_71 : memref<1x640x128xf32, #tpu.memory_space<hbm>> -> memref<640x128xf32, #tpu.memory_space<hbm>>
      %dma_start3A_73 = arith.constant 0 : i32
      %dma_start3A_74 = tpu.memref_slice %arg6[%mul3A_67, %dma_start3A_73] : memref<10240x128xf32, #tpu.memory_space<vmem_shared>> -> memref<640x128xf32, #tpu.memory_space<vmem_shared>>
      tpu.enqueue_dma source(%dma_start3A_74 : memref<640x128xf32, #tpu.memory_space<vmem_shared>>) target(%dma_start3A_72 : memref<640x128xf32, #tpu.memory_space<hbm>>) target_semaphore(%run_scoped3A : memref<!tpu.dma_semaphore, #tpu.memory_space<semaphore_mem>>)
      %dma_wait3A_75 = arith.constant 0 : i32
      %dma_wait3A_76 = tpu.memref_slice %arg5[%arg0, %mul3A_69, %dma_wait3A_75] : memref<2x10240x128xf32, #tpu.memory_space<hbm>> -> memref<1x640x128xf32, #tpu.memory_space<hbm>>
      %dma_wait3A_77 = tpu.memref_squeeze %dma_wait3A_76 : memref<1x640x128xf32, #tpu.memory_space<hbm>> -> memref<640x128xf32, #tpu.memory_space<hbm>>
      %dma_wait3A_78 = arith.constant 0 : i32
      %dma_wait3A_79 = tpu.memref_slice %arg6[%mul3A_67, %dma_wait3A_78] : memref<10240x128xf32, #tpu.memory_space<vmem_shared>> -> memref<640x128xf32, #tpu.memory_space<vmem_shared>>
      tpu.wait_dma2 semaphore(%run_scoped3A : memref<!tpu.dma_semaphore, #tpu.memory_space<semaphore_mem>>) src(%dma_wait3A_79 : memref<640x128xf32, #tpu.memory_space<vmem_shared>>) dst(%dma_wait3A_77 : memref<640x128xf32, #tpu.memory_space<hbm>>)
      tpu.yield
    }) : () -> ()
    return
  }
}

module attributes {stable_mosaic.version = 14 : i64} {
  func.func @_prep_body(%arg0: memref<32x10000xf32, #tpu.memory_space<vmem>>, %arg1: memref<10000x128xf32, #tpu.memory_space<vmem>>, %arg2: memref<128x128xf32, #tpu.memory_space<vmem>>, %arg3: memref<10000x128xf32, #tpu.memory_space<vmem>>, %arg4: memref<10000x1xf32, #tpu.memory_space<vmem>>) attributes {dimension_semantics = [], scalar_prefetch = 0 : i64, scratch_operands = 0 : i64, tpu.core_type = #tpu.core_type<tc>} {
    %broadcast_in_dim3A = arith.constant 1.000000e+00 : f32
    %broadcast_in_dim3A_0 = vector.broadcast %broadcast_in_dim3A : f32 to vector<32x1xf32>
    %get3A = arith.constant 0 : index
    %get3A_1 = arith.constant 0 : index
    %get3A_2 = vector.load %arg0[%get3A, %get3A_1] : memref<32x10000xf32, #tpu.memory_space<vmem>>, vector<32x10000xf32>
    %dot_general3A = arith.constant dense<0.000000e+00> : vector<10000x1xf32>
    %dot_general3A_3 = tpu.matmul %get3A_2, %broadcast_in_dim3A_0, %dot_general3A {dimension_numbers = #tpu.dot_dimension_numbers<[0], [0], [1], [1], [0, 1, 1, 1], [], []>, precision = #tpu.contract_precision<fp32>, transpose_lhs_hint = false} : vector<32x10000xf32>, vector<32x1xf32>, vector<10000x1xf32> -> vector<10000x1xf32>
    %add3A = arith.constant 1.000000e+00 : f32
    %add3A_4 = vector.broadcast %add3A : f32 to vector<10000x1xf32>
    %add3A_5 = arith.addf %dot_general3A_3, %add3A_4 : vector<10000x1xf32>
    %rsqrt3A = math.rsqrt %add3A_5 : vector<10000x1xf32>
    %swap3A = arith.constant 0 : index
    %swap3A_6 = arith.constant 0 : index
    %swap3A_7 = vector.load %arg4[%swap3A, %swap3A_6] : memref<10000x1xf32, #tpu.memory_space<vmem>>, vector<10000x1xf32>
    tpu.vector_store %arg4[%swap3A, %swap3A_6], %rsqrt3A {strides = array<i32>} : memref<10000x1xf32, #tpu.memory_space<vmem>>, vector<10000x1xf32>,
    %get3A_8 = arith.constant 0 : index
    %get3A_9 = arith.constant 0 : index
    %get3A_10 = vector.load %arg1[%get3A_8, %get3A_9] : memref<10000x128xf32, #tpu.memory_space<vmem>>, vector<10000x128xf32>
    %get3A_11 = arith.constant 0 : index
    %get3A_12 = arith.constant 0 : index
    %get3A_13 = vector.load %arg2[%get3A_11, %get3A_12] : memref<128x128xf32, #tpu.memory_space<vmem>>, vector<128x128xf32>
    %dot_general3A_14 = arith.constant dense<0.000000e+00> : vector<10000x128xf32>
    %dot_general3A_15 = tpu.matmul %get3A_10, %get3A_13, %dot_general3A_14 {dimension_numbers = #tpu.dot_dimension_numbers<[1], [0], [0], [1], [0, 0, 1, 1], [], []>, transpose_lhs_hint = false} : vector<10000x128xf32>, vector<128x128xf32>, vector<10000x128xf32> -> vector<10000x128xf32>
    %mul3A = vector.broadcast %rsqrt3A : vector<10000x1xf32> to vector<10000x128xf32>
    %mul3A_16 = arith.mulf %dot_general3A_15, %mul3A : vector<10000x128xf32>
    %swap3A_17 = arith.constant 0 : index
    %swap3A_18 = arith.constant 0 : index
    %swap3A_19 = vector.load %arg3[%swap3A_17, %swap3A_18] : memref<10000x128xf32, #tpu.memory_space<vmem>>, vector<10000x128xf32>
    tpu.vector_store %arg3[%swap3A_17, %swap3A_18], %mul3A_16 {strides = array<i32>} : memref<10000x128xf32, #tpu.memory_space<vmem>>, vector<10000x128xf32>,
    return
  }
}

module attributes {stable_mosaic.version = 14 : i64} {
  func.func @_mid_body(%arg0: memref<2x10240x128xf32, #tpu.memory_space<vmem>>, %arg1: memref<10000x128xf32, #tpu.memory_space<vmem>>, %arg2: memref<10000x1xf32, #tpu.memory_space<vmem>>, %arg3: memref<128xf32, #tpu.memory_space<vmem>>, %arg4: memref<128xf32, #tpu.memory_space<vmem>>, %arg5: memref<128xf32, #tpu.memory_space<vmem>>, %arg6: memref<128x128xf32, #tpu.memory_space<vmem>>, %arg7: memref<10000x128xf32, #tpu.memory_space<vmem>>) attributes {dimension_semantics = [], scalar_prefetch = 0 : i64, scratch_operands = 0 : i64, tpu.core_type = #tpu.core_type<tc>} {
    %get3A = arith.constant 0 : index
    %get3A_0 = arith.constant 0 : index
    %get3A_1 = vector.load %arg2[%get3A, %get3A_0] : memref<10000x1xf32, #tpu.memory_space<vmem>>, vector<10000x1xf32>
    %get3A_2 = arith.constant 0 : index
    %get3A_3 = arith.constant 0 : index
    %get3A_4 = arith.constant 0 : index
    %get3A_5 = vector.load %arg0[%get3A_2, %get3A_3, %get3A_4] : memref<2x10240x128xf32, #tpu.memory_space<vmem>>, vector<1x10240x128xf32>
    %get3A_6 = vector.shape_cast %get3A_5 : vector<1x10240x128xf32> to vector<10240x128xf32>
    %get3A_7 = arith.constant 1 : index
    %get3A_8 = arith.constant 0 : index
    %get3A_9 = arith.constant 0 : index
    %get3A_10 = vector.load %arg0[%get3A_7, %get3A_8, %get3A_9] : memref<2x10240x128xf32, #tpu.memory_space<vmem>>, vector<1x10240x128xf32>
    %get3A_11 = vector.shape_cast %get3A_10 : vector<1x10240x128xf32> to vector<10240x128xf32>
    %add3A = arith.addf %get3A_6, %get3A_11 : vector<10240x128xf32>
    %slice3A = vector.extract_strided_slice %add3A {offsets = [0, 0], sizes = [10000, 128], strides = [1, 1]} : vector<10240x128xf32> to vector<10000x128xf32>
    %get3A_12 = arith.constant 0 : index
    %get3A_13 = arith.constant 0 : index
    %get3A_14 = vector.load %arg1[%get3A_12, %get3A_13] : memref<10000x128xf32, #tpu.memory_space<vmem>>, vector<10000x128xf32>
    %add3A_15 = arith.addf %slice3A, %get3A_14 : vector<10000x128xf32>
    %mul3A = vector.broadcast %get3A_1 : vector<10000x1xf32> to vector<10000x128xf32>
    %mul3A_16 = arith.mulf %add3A_15, %mul3A : vector<10000x128xf32>
    %get3A_17 = arith.constant 0 : index
    %get3A_18 = vector.load %arg3[%get3A_17] : memref<128xf32, #tpu.memory_space<vmem>>, vector<128xf32>
    %broadcast_in_dim3A = vector.shape_cast %get3A_18 : vector<128xf32> to vector<1x128xf32>
    %add3A_19 = vector.broadcast %broadcast_in_dim3A : vector<1x128xf32> to vector<10000x128xf32>
    %add3A_20 = arith.addf %mul3A_16, %add3A_19 : vector<10000x128xf32>
    %reduce_sum3A = arith.constant dense<0.000000e+00> : vector<128xf32>
    %reduce_sum3A_21 = vector.multi_reduction <add>, %add3A_20, %reduce_sum3A [0] : vector<10000x128xf32> to vector<128xf32>
    %div3A = arith.constant 1.000000e+04 : f32
    %div3A_22 = vector.broadcast %div3A : f32 to vector<128xf32>
    %div3A_23 = arith.divf %reduce_sum3A_21, %div3A_22 : vector<128xf32>
    %broadcast_in_dim3A_24 = vector.shape_cast %div3A_23 : vector<128xf32> to vector<1x128xf32>
    %sub3A = vector.broadcast %broadcast_in_dim3A_24 : vector<1x128xf32> to vector<10000x128xf32>
    %sub3A_25 = arith.subf %add3A_20, %sub3A : vector<10000x128xf32>
    %mul3A_26 = arith.mulf %sub3A_25, %sub3A_25 : vector<10000x128xf32>
    %reduce_sum3A_27 = arith.constant dense<0.000000e+00> : vector<128xf32>
    %reduce_sum3A_28 = vector.multi_reduction <add>, %mul3A_26, %reduce_sum3A_27 [0] : vector<10000x128xf32> to vector<128xf32>
    %div3A_29 = arith.constant 1.000000e+04 : f32
    %div3A_30 = vector.broadcast %div3A_29 : f32 to vector<128xf32>
    %div3A_31 = arith.divf %reduce_sum3A_28, %div3A_30 : vector<128xf32>
    %add3A_32 = arith.constant 9.99999974E-6 : f32
    %add3A_33 = vector.broadcast %add3A_32 : f32 to vector<128xf32>
    %add3A_34 = arith.addf %div3A_31, %add3A_33 : vector<128xf32>
    %rsqrt3A = math.rsqrt %add3A_34 : vector<128xf32>
    %broadcast_in_dim3A_35 = vector.shape_cast %rsqrt3A : vector<128xf32> to vector<1x128xf32>
    %mul3A_36 = vector.broadcast %broadcast_in_dim3A_35 : vector<1x128xf32> to vector<10000x128xf32>
    %mul3A_37 = arith.mulf %sub3A_25, %mul3A_36 : vector<10000x128xf32>
    %get3A_38 = arith.constant 0 : index
    %get3A_39 = vector.load %arg4[%get3A_38] : memref<128xf32, #tpu.memory_space<vmem>>, vector<128xf32>
    %broadcast_in_dim3A_40 = vector.shape_cast %get3A_39 : vector<128xf32> to vector<1x128xf32>
    %mul3A_41 = vector.broadcast %broadcast_in_dim3A_40 : vector<1x128xf32> to vector<10000x128xf32>
    %mul3A_42 = arith.mulf %mul3A_37, %mul3A_41 : vector<10000x128xf32>
    %get3A_43 = arith.constant 0 : index
    %get3A_44 = vector.load %arg5[%get3A_43] : memref<128xf32, #tpu.memory_space<vmem>>, vector<128xf32>
    %broadcast_in_dim3A_45 = vector.shape_cast %get3A_44 : vector<128xf32> to vector<1x128xf32>
    %add3A_46 = vector.broadcast %broadcast_in_dim3A_45 : vector<1x128xf32> to vector<10000x128xf32>
    %add3A_47 = arith.addf %mul3A_42, %add3A_46 : vector<10000x128xf32>
    %max3A = arith.constant 0.000000e+00 : f32
    %max3A_48 = vector.broadcast %max3A : f32 to vector<10000x128xf32>
    %max3A_49 = arith.maximumf %add3A_47, %max3A_48 : vector<10000x128xf32>
    %get3A_50 = arith.constant 0 : index
    %get3A_51 = arith.constant 0 : index
    %get3A_52 = vector.load %arg6[%get3A_50, %get3A_51] : memref<128x128xf32, #tpu.memory_space<vmem>>, vector<128x128xf32>
    %dot_general3A = arith.constant dense<0.000000e+00> : vector<10000x128xf32>
    %dot_general3A_53 = tpu.matmul %max3A_49, %get3A_52, %dot_general3A {dimension_numbers = #tpu.dot_dimension_numbers<[1], [0], [0], [1], [0, 0, 1, 1], [], []>, transpose_lhs_hint = false} : vector<10000x128xf32>, vector<128x128xf32>, vector<10000x128xf32> -> vector<10000x128xf32>
    %mul3A_54 = vector.broadcast %get3A_1 : vector<10000x1xf32> to vector<10000x128xf32>
    %mul3A_55 = arith.mulf %dot_general3A_53, %mul3A_54 : vector<10000x128xf32>
    %swap3A = arith.constant 0 : index
    %swap3A_56 = arith.constant 0 : index
    %swap3A_57 = vector.load %arg7[%swap3A, %swap3A_56] : memref<10000x128xf32, #tpu.memory_space<vmem>>, vector<10000x128xf32>
    tpu.vector_store %arg7[%swap3A, %swap3A_56], %mul3A_55 {strides = array<i32>} : memref<10000x128xf32, #tpu.memory_space<vmem>>, vector<10000x128xf32>,
    return
  }
}

module attributes {stable_mosaic.version = 14 : i64} {
  func.func @_fin_body(%arg0: memref<2x10240x128xf32, #tpu.memory_space<vmem>>, %arg1: memref<10000x128xf32, #tpu.memory_space<vmem>>, %arg2: memref<10000x1xf32, #tpu.memory_space<vmem>>, %arg3: memref<128xf32, #tpu.memory_space<vmem>>, %arg4: memref<128xf32, #tpu.memory_space<vmem>>, %arg5: memref<128xf32, #tpu.memory_space<vmem>>, %arg6: memref<10000x128xf32, #tpu.memory_space<vmem>>) attributes {dimension_semantics = [], scalar_prefetch = 0 : i64, scratch_operands = 0 : i64, tpu.core_type = #tpu.core_type<tc>} {
    %get3A = arith.constant 0 : index
    %get3A_0 = arith.constant 0 : index
    %get3A_1 = arith.constant 0 : index
    %get3A_2 = vector.load %arg0[%get3A, %get3A_0, %get3A_1] : memref<2x10240x128xf32, #tpu.memory_space<vmem>>, vector<1x10240x128xf32>
    %get3A_3 = vector.shape_cast %get3A_2 : vector<1x10240x128xf32> to vector<10240x128xf32>
    %get3A_4 = arith.constant 1 : index
    %get3A_5 = arith.constant 0 : index
    %get3A_6 = arith.constant 0 : index
    %get3A_7 = vector.load %arg0[%get3A_4, %get3A_5, %get3A_6] : memref<2x10240x128xf32, #tpu.memory_space<vmem>>, vector<1x10240x128xf32>
    %get3A_8 = vector.shape_cast %get3A_7 : vector<1x10240x128xf32> to vector<10240x128xf32>
    %add3A = arith.addf %get3A_3, %get3A_8 : vector<10240x128xf32>
    %slice3A = vector.extract_strided_slice %add3A {offsets = [0, 0], sizes = [10000, 128], strides = [1, 1]} : vector<10240x128xf32> to vector<10000x128xf32>
    %get3A_9 = arith.constant 0 : index
    %get3A_10 = arith.constant 0 : index
    %get3A_11 = vector.load %arg1[%get3A_9, %get3A_10] : memref<10000x128xf32, #tpu.memory_space<vmem>>, vector<10000x128xf32>
    %add3A_12 = arith.addf %slice3A, %get3A_11 : vector<10000x128xf32>
    %get3A_13 = arith.constant 0 : index
    %get3A_14 = arith.constant 0 : index
    %get3A_15 = vector.load %arg2[%get3A_13, %get3A_14] : memref<10000x1xf32, #tpu.memory_space<vmem>>, vector<10000x1xf32>
    %mul3A = vector.broadcast %get3A_15 : vector<10000x1xf32> to vector<10000x128xf32>
    %mul3A_16 = arith.mulf %add3A_12, %mul3A : vector<10000x128xf32>
    %get3A_17 = arith.constant 0 : index
    %get3A_18 = vector.load %arg3[%get3A_17] : memref<128xf32, #tpu.memory_space<vmem>>, vector<128xf32>
    %broadcast_in_dim3A = vector.shape_cast %get3A_18 : vector<128xf32> to vector<1x128xf32>
    %add3A_19 = vector.broadcast %broadcast_in_dim3A : vector<1x128xf32> to vector<10000x128xf32>
    %add3A_20 = arith.addf %mul3A_16, %add3A_19 : vector<10000x128xf32>
    %reduce_sum3A = arith.constant dense<0.000000e+00> : vector<128xf32>
    %reduce_sum3A_21 = vector.multi_reduction <add>, %add3A_20, %reduce_sum3A [0] : vector<10000x128xf32> to vector<128xf32>
    %div3A = arith.constant 1.000000e+04 : f32
    %div3A_22 = vector.broadcast %div3A : f32 to vector<128xf32>
    %div3A_23 = arith.divf %reduce_sum3A_21, %div3A_22 : vector<128xf32>
    %broadcast_in_dim3A_24 = vector.shape_cast %div3A_23 : vector<128xf32> to vector<1x128xf32>
    %sub3A = vector.broadcast %broadcast_in_dim3A_24 : vector<1x128xf32> to vector<10000x128xf32>
    %sub3A_25 = arith.subf %add3A_20, %sub3A : vector<10000x128xf32>
    %mul3A_26 = arith.mulf %sub3A_25, %sub3A_25 : vector<10000x128xf32>
    %reduce_sum3A_27 = arith.constant dense<0.000000e+00> : vector<128xf32>
    %reduce_sum3A_28 = vector.multi_reduction <add>, %mul3A_26, %reduce_sum3A_27 [0] : vector<10000x128xf32> to vector<128xf32>
    %div3A_29 = arith.constant 1.000000e+04 : f32
    %div3A_30 = vector.broadcast %div3A_29 : f32 to vector<128xf32>
    %div3A_31 = arith.divf %reduce_sum3A_28, %div3A_30 : vector<128xf32>
    %add3A_32 = arith.constant 9.99999974E-6 : f32
    %add3A_33 = vector.broadcast %add3A_32 : f32 to vector<128xf32>
    %add3A_34 = arith.addf %div3A_31, %add3A_33 : vector<128xf32>
    %rsqrt3A = math.rsqrt %add3A_34 : vector<128xf32>
    %broadcast_in_dim3A_35 = vector.shape_cast %rsqrt3A : vector<128xf32> to vector<1x128xf32>
    %mul3A_36 = vector.broadcast %broadcast_in_dim3A_35 : vector<1x128xf32> to vector<10000x128xf32>
    %mul3A_37 = arith.mulf %sub3A_25, %mul3A_36 : vector<10000x128xf32>
    %get3A_38 = arith.constant 0 : index
    %get3A_39 = vector.load %arg4[%get3A_38] : memref<128xf32, #tpu.memory_space<vmem>>, vector<128xf32>
    %broadcast_in_dim3A_40 = vector.shape_cast %get3A_39 : vector<128xf32> to vector<1x128xf32>
    %mul3A_41 = vector.broadcast %broadcast_in_dim3A_40 : vector<1x128xf32> to vector<10000x128xf32>
    %mul3A_42 = arith.mulf %mul3A_37, %mul3A_41 : vector<10000x128xf32>
    %get3A_43 = arith.constant 0 : index
    %get3A_44 = vector.load %arg5[%get3A_43] : memref<128xf32, #tpu.memory_space<vmem>>, vector<128xf32>
    %broadcast_in_dim3A_45 = vector.shape_cast %get3A_44 : vector<128xf32> to vector<1x128xf32>
    %add3A_46 = vector.broadcast %broadcast_in_dim3A_45 : vector<1x128xf32> to vector<10000x128xf32>
    %add3A_47 = arith.addf %mul3A_42, %add3A_46 : vector<10000x128xf32>
    %swap3A = arith.constant 0 : index
    %swap3A_48 = arith.constant 0 : index
    %swap3A_49 = vector.load %arg6[%swap3A, %swap3A_48] : memref<10000x128xf32, #tpu.memory_space<vmem>>, vector<10000x128xf32>
    tpu.vector_store %arg6[%swap3A, %swap3A_48], %add3A_47 {strides = array<i32>} : memref<10000x128xf32, #tpu.memory_space<vmem>>, vector<10000x128xf32>,
    return
  }
}

</mosaic_0001>

<sc_bundles>
// kernel: kernel.11.cloned.1.call-start
scs
__scs_entry_jumppad:
0x0: {  	(pc) =	sbr.rel $0x88, $3  }
0x1: {  	(tag) =	ssettag $0x0;
	lr =	simm.s32 $0x1  }
0x2: {  	[smem:$0x3F97] =	sst lr;
	_ =	strace $0xD0000000  }
0x3: {  	_ = 	snop  }
0x4: {  	_ = 	snop  }
0x5: {  	_ = 	snop  }
0x6: {  	_ = 	snop  }
0x7: {  	_ = 	snop  }
__scs_overlays_trampoline_lowered:
0x8: {  	[smem:$0x3FA6] =	sst s0  }
0x9: {  	[smem:$0x3FA7] =	sst s1  }
0xa: {  	[smem:$0x3FA8] =	sst s2  }
0xb: {  	[smem:$0x3FA9] =	sst s3  }
0xc: {  	[smem:$0x3FAA] =	sst s4  }
0xd: {  	[smem:$0x3FAB] =	sst s5  }
0xe: {  	[smem:$0x3FAC] =	sst s6  }
0xf: {  	[smem:$0x3FAD] =	sst s7  }
0x10: {  	[smem:$0x3FAE] =	sst s8  }
0x11: {  	[smem:$0x3FAF] =	sst s9;
	s0 =	simm.s32 @!p0 $0x0  }
0x12: {  	s1 =	sld [smem:$0x3F95];
	s0 =	simm.s32 @p0 $0x1  }
0x13: {  	[smem:$0x3FB0] =	sst s0;
	s0 =	simm.s32 @!p1 $0x0  }
0x14: {  	s2 =	sld [smem:$0x3F94];
	s0 =	simm.s32 @p1 $0x1  }
0x15: {  	[smem:$0x3FB1] =	sst s0;
	s0 =	simm.s32 @!p2 $0x0  }
0x16: {  	s3 =	sld [smem:$0x3FDB];
	s0 =	simm.s32 @p2 $0x1  }
0x17: {  	s4 =	simm.s32 $0x1BF5;
	[smem:$0x3FB3] =	sst s0  }
0x18: {  	s0 =	sld [smem:$0x3F96];
	_ =	swait.ge [sflag:s4], $0x0  }
0x19: {  	s7 =	sld [smem:$0x3F97]  }
0x1a: {  	s8 =	sadd.s32 $0xFFFFE003, lr  }
0x1b: {  	s9 =	sadd.s32 $0xFFFFFEF7, lr;
	s5 =	simm.s32 $0xFFFFFFFF;
	p2 =	slt.u32 s8, $0xFFFFF086  }
0x1c: {  	p1 =	slt.u32 s9, $0xF7A;
	s5 =	simm.s32 @!p2 $0x0  }
0x1d: {  	s5 =	simm.s32 @p1 $0x1;
	p0 =	seq.s32 s7, s2  }
0x1e: {  	s7 =	smul.u32 @!p0 $0xF7A, s2;
	p2 =	seq.s32 @!p0 s5, $0x0  }
0x1f: {  	s9 =	smul.u32 $0xF7A, s1;
	s8 =	simm.s32 @!p0 $0x1BF5;
	p2 =	por !p2, p0  }
0x20: {  	[sflag:s8] =	ssyncset.s32 @!p0 $0xFFFFF086;
	s6 =	sadd.s32 @!p0 s3, s7;
	s7 =	simm.s32 @!p0 $0x108  }
0x21: {  	s3 =	sadd.s32 s3, s9;
	s6 =	sadd.s32 @!p0 $0x88, s6;
	s7 =	simm.s32 @p2 $0x1082  }
0x22: {  	[simem:s7], [sflag:s8] =	dma.local @!p0 [hbm:s6], $0xF7A  }
0x23: {  	s9 =	sor.u32 $0xD0000000, s2;
	s6 =	simm.s32 $0x108;
	_ =	swait.ge @!p0 [sflag:s8], $0x0  }
0x24: {  	s3 =	sadd.s32 $0x88, s3;
	s6 =	simm.s32 @!p1 $0x1082;
	[sflag:s4] =	ssyncset.s32 $0xFFFFF086  }
0x25: {  	[simem:s6], [sflag:s4] =	dma.local [hbm:s3], $0xF7A  }
0x26: {  	[smem:$0x3F97] =	sst s1;
	(tag) =	ssettag s2;
	_ =	strace s9  }
0x27: {  	s1 =	sld [smem:$0x3FA7]  }
0x28: {  	s2 =	sld [smem:$0x3FA8]  }
0x29: {  	s4 =	sld [smem:$0x3FAA]  }
0x2a: {  	p0 =	seq.s32 s5, $0x0;
	s5 =	sld [smem:$0x3FAB]  }
0x2b: {  	s6 =	sld [smem:$0x3FAC]  }
0x2c: {  	s7 =	sld [smem:$0x3FAD]  }
0x2d: {  	s3 =	simm.s32 $0x108;
	s8 =	sld [smem:$0x3FAE]  }
0x2e: {  	s3 =	simm.s32 @!p0 $0x1082;
	s9 =	sld [smem:$0x3FAF]  }
0x2f: {  	lr =	sadd.s32 s0, s3;
	s0 =	sld [smem:$0x3FA6]  }
0x30: {  	s3 =	sld [smem:$0x3FA9]  }
0x31: {  	[smem:$0x3FB2] =	sst s10  }
0x32: {  	s10 =	sld [smem:$0x3FB0];
	_ =	sdelay $0x3  }
0x33: {  	p0 =	seq.s32 s10, $0x1;
	s10 =	sld [smem:$0x3FB2];
	_ =	sdelay $0x3  }
0x34: {  	[smem:$0x3FB2] =	sst s10  }
0x35: {  	s10 =	sld [smem:$0x3FB1];
	_ =	sdelay $0x3  }
0x36: {  	p1 =	seq.s32 s10, $0x1;
	s10 =	sld [smem:$0x3FB2];
	_ =	sdelay $0x3  }
0x37: {  	[smem:$0x3FB2] =	sst s10  }
0x38: {  	s10 =	sld [smem:$0x3FB3]  }
0x39: {  	_ = 	snop;
	(pc) =	sbr.ind lr, $3  }
0x3a: {  	_ = 	snop  }
0x3b: {  	_ = 	snop  }
0x3c: {  	p2 =	seq.s32 s10, $0x1;
	s10 =	sld [smem:$0x3FB2]  }
0x3d: {  	_ =	shalt  }
0x3e: {  	_ =	shalt  }
0x3f: {  	_ =	shalt  }
0x40: {  	_ =	shalt  }
0x41: {  	_ =	shalt  }
0x42: {  	_ =	shalt  }
0x43: {  	_ =	shalt  }
0x44: {  	_ =	shalt  }
0x45: {  	_ =	shalt  }
0x46: {  	_ =	shalt  }
0x47: {  	_ =	shalt  }
0x48: {  	_ =	shalt  }
0x49: {  	_ =	shalt  }
0x4a: {  	_ =	shalt  }
0x4b: {  	_ =	shalt  }
0x4c: {  	_ =	shalt  }
0x4d: {  	_ =	shalt  }
0x4e: {  	_ =	shalt  }
0x4f: {  	_ =	shalt  }
0x50: {  	_ =	shalt  }
0x51: {  	_ =	shalt  }
0x52: {  	_ =	shalt  }
0x53: {  	_ =	shalt  }
0x54: {  	_ =	shalt  }
0x55: {  	_ =	shalt  }
0x56: {  	_ =	shalt  }
0x57: {  	_ =	shalt  }
0x58: {  	_ =	shalt  }
0x59: {  	_ =	shalt  }
0x5a: {  	_ =	shalt  }
0x5b: {  	_ =	shalt  }
0x5c: {  	_ =	shalt  }
0x5d: {  	_ =	shalt  }
0x5e: {  	_ =	shalt  }
0x5f: {  	_ =	shalt  }
0x60: {  	_ =	shalt  }
0x61: {  	_ =	shalt  }
0x62: {  	_ =	shalt  }
0x63: {  	_ =	shalt  }
0x64: {  	_ =	shalt  }
0x65: {  	_ =	shalt  }
0x66: {  	_ =	shalt  }
0x67: {  	_ =	shalt  }
0x68: {  	_ =	shalt  }
0x69: {  	_ =	shalt  }
0x6a: {  	_ =	shalt  }
0x6b: {  	_ =	shalt  }
0x6c: {  	_ =	shalt  }
0x6d: {  	_ =	shalt  }
0x6e: {  	_ =	shalt  }
0x6f: {  	_ =	shalt  }
0x70: {  	_ =	shalt  }
0x71: {  	_ =	shalt  }
0x72: {  	_ =	shalt  }
0x73: {  	_ =	shalt  }
0x74: {  	_ =	shalt  }
0x75: {  	_ =	shalt  }
0x76: {  	_ =	shalt  }
0x77: {  	_ =	shalt  }
0x78: {  	_ =	shalt  }
0x79: {  	_ =	shalt  }
0x7a: {  	_ =	shalt  }
0x7b: {  	_ =	shalt  }
0x7c: {  	_ =	shalt  }
0x7d: {  	_ =	shalt  }
0x7e: {  	_ =	shalt  }
0x7f: {  	_ =	shalt  }
0x80: {  	_ =	shalt  }
0x81: {  	_ =	shalt  }
0x82: {  	_ =	shalt  }
0x83: {  	_ =	shalt  }
0x84: {  	_ =	shalt  }
0x85: {  	_ =	shalt  }
0x86: {  	_ =	shalt  }
0x87: {  	_ =	shalt  }
.Lfunc_end0:
.L_simem_size_0:
called_computation.1_lowered:
.L_overlay_start_0:
0x88: {  	s2 =	sld [smem:$0x3FD9]  }
0x89: {  	s3 =	sld [smem:$0x3FFE];
	_ =	sdelay $0x1  }
0x8a: {  	s1 =	srdreg.scid  }
0x8b: {  	s0 =	sand.u32 $0x1, s1  }
0x8c: {  	s17 =	sshll.u32 s0, $0xA;
	s2 =	sadd.s32 s3, s2  }
0x8d: {  	s2 =	sadd.s32 s2, s17  }
0x8e: {  	[smem:$0x3FBE] =	sst s2  }
0x8f: {  	_ = 	snop  }
0x90: {  	s2 =	sld [smem:$0x3FD0];
	(tm) =	ssettm $0x1  }
0x91: {  	s18 =	sld [smem:$0x3FFB];
	_ =	sdelay $0x3  }
0x92: {  	_ =	strace s18  }
0x93: {  	s3 =	sld [smem:$0x3FFC];
	_ =	sdelay $0x3  }
0x94: {  	_ =	strace s3  }
0x95: {  	s3 =	sld [smem:$0x3FFD];
	_ =	sdelay $0x3  }
0x96: {  	_ =	strace s3  }
0x97: {  	_ =	strace $0x8FFFFFFF  }
0x98: {  	s19 =	sld [smem:$0x3FDB];
	_ =	sdelay $0x1  }
0x99: {  	s4 =	simm.s32 $_scs_section_size  }
0x9a: {  	s5 =	simm.s32 $_size__tile_overlayer_lowered;
	s6 =	simm.s32 $_tile_overlayer_lowered  }
0x9b: {  	s22 =	simm.s32 $0x1BFF;
	s21 =	sshll.u32 s6, $0x1;
	s3 =	sadd.s32 s4, s19  }
0x9c: {  	s7 =	simm.s32 $0x0;
	s20 =	sshll.u32 s5, $0x1;
	s5 =	sadd.s32 s21, s3  }
0x9d: {  	[timem:s7], [sflag:s22] =	dma.local [hbm:s5], s20  }
0x9e: {  	_ =	swait.ge [sflag:s22], s20  }
0x9f: {  	s4 =	ssub.s32 $0x0, s20;
	[sflag:s22] =	ssyncset.done $0x0  }
0xa0: {  	[sflag:s22] =	ssyncadd.s32 s4;
	_ =	sdelay $0x1  }
0xa1: {  	s23 =	simm.s32 $0x1B8B  }
0xa2: {  	_ =	swait.ge [sflag:s23], $0x1  }
0xa3: {  	[sflag:s23] =	ssyncset.done $0x0  }
0xa4: {  	s25 =	simm.s32 $0x1B8E;
	s24 =	sld [smem:$0x3FFE];
	[sflag:s23] =	ssyncadd.s32 $0xFFFFFFFF  }
0xa5: {  	s26 =	simm.s32 $execute0_lowered;
	[smem:$0x3FD2] =	sst s25  }
0xa6: {  	s5 =	sshll.u32 s26, $0x1;
	_ =	strace $0x80000049;
	[dreg:$0x1] =	wrdreg $0xFFFFFFFF  }
0xa7: {  	s28 =	simm.s32 $_size_execute0_lowered;
	s3 =	sadd.s32 s3, s5;
	[dreg:$0x0] =	wrdreg $0x0  }
0xa8: {  	s5 =	sshll.u32 s28, $0x1;
	[dreg:$0x2] =	wrdreg s3  }
0xa9: {  	[dreg:$0x3] =	wrdreg s5  }
0xaa: {  	[dreg:$0x4] =	wrdreg $0xC0  }
0xab: {  	_ =	task [dreg:s7], $0x5FFFF  }
0xac: {  	[dreg:$0x1] =	wrdreg $0xFFFFFFFF  }
0xad: {  	[dreg:$0x0] =	wrdreg $0x60  }
0xae: {  	[dreg:$0x2] =	wrdreg s2  }
0xaf: {  	[dreg:$0x3] =	wrdreg s24  }
0xb0: {  	[dreg:$0x4] =	wrdreg $0x0  }
0xb1: {  	[dreg:$0x5] =	wrdreg $0x9  }
0xb2: {  	_ =	task.clear_ibuf [dreg:s7], $0x6FFFF;
	_ =	strace $0x90000049  }
0xb3: {  	s29 =	simm.s32 $0x9;
	_ =	strace $0x8000004B  }
0xb4: {  	_ =	swait.ge [sflag:s29], $0x1  }
0xb5: {  	[sflag:s29] =	ssyncadd.s32 $0xFFFFFFFF  }
0xb6: {  	_ =	strace $0x9000004B  }
0xb7: {  	_ =	sfence  }
0xb8: {  	s30 =	sld [smem:$0x0];
	_ =	sdelay $0x2  }
0xb9: {  	s31 =	sshll.u32 s1, $0xD;
	s1 =	sshrl.u32 s1, $0x2  }
0xba: {  	s3 =	sand.u32 $0x4000, s31;
	s1 =	sadd.s32 s1, s30  }
0xbb: {  	s0 =	sor.u32 s3, s0;
	s1 =	sshll.u32 s1, $0x11  }
0xbc: {  	s0 =	sor.u32 s1, s0  }
0xbd: {  	s0 =	sadd.s32 $0x8F2B, s0  }
0xbe: {  	[sflag:s0] =	ssyncadd.remote.s32 $0x1  }
0xbf: {  	_ =	sfence.sel $0xFFFF  }
0xc0: {  	[dreg:$0x0] =	wrdreg $0xFFFFFFFF;
	(pc) =	sbr.abs _section_cstart, $3  }
0xc1: {  	[dreg:$0x1] =	wrdreg $0xFFFFFFFF  }
0xc2: {  	_ =	task.clear_ibuf [dreg:s7], $0x2FFFF;
	_ =	strace $0x9FFFFFFF  }
0xc3: {  	(tm) =	ssettm $0x7FFFFFFF  }
tec
execute0_lowered:
.L_overlay_start_1:
0x0: {  	(tag) =	ssettag $0x1  }
0x1: {  	s0 =	rddreg [dreg:$0x0]  }
0x2: {  	s6 =	rddreg [dreg:$0x1]  }
0x3: {  	s1 =	srdreg.scid;
	s3 =	rddreg [dreg:$0x2]  }
0x4: {  	s2 =	stileid.u32;
	s4 =	simm.s32 $0x0;
	s16 =	simm.s32 $0x80  }
0x5: {  	s17 =	simm.s32 $0x14200;
	s18 =	simm.s32 $0x14100;
	s19 =	simm.s32 $0x18200  }
0x6: {  	s20 =	simm.s32 $0x1;
	s21 =	simm.s32 $0x14080;
	s22 =	simm.s32 $0x2  }
0x7: {  	s23 =	simm.s32 $0x14180;
	s24 =	simm.s32 $0x3;
	s25 =	simm.s32 $0x4  }
0x8: {  	s26 =	simm.s32 $0x0;
	s7 =	sand.u32 $0x1, s1;
	s1 =	rddreg [dreg:$0x3]  }
0x9: {  	s8 =	smul.u32 $0x14000, s2;
	[smem:$0x7FF] =	sst s4;
	s10 =	sadd.s32 $0xD200, s6  }
0xa: {  	s30 =	smul.u32 $0x50000, s2;
	s12 =	sshll.u32 s2, $0x6;
	p0 =	sgt.u32 s2, $0x1  }
0xb: {  	s5 =	smul.u32 $0x140000, s7;
	_ =	strace $0x8000004A;
	s29 =	ssub.s32 $0x2, s7  }
0xc: {  	s13 =	sshll.u32 s7, $0x5;
	s9 =	sshrl.u32 s29, $0x1;
	s31 =	sshrl.u32 s30, $0x2  }
0xd: {  	s7 =	sor.u32 s13, s12;
	s8 =	sadd.s32 s8, s5;
	s5 =	sadd.s32 $0x3400, s6  }
0xe: {  	s14 =	ssub.s32 s29, s9;
	s7 =	sadd.s32 s10, s7;
	s8 =	sshrl.u32 s8, $0x3  }
0xf: {  	s15 =	sadd.s32 s31, s3;
	s9 =	sadd.s32 $0x13800, s7;
	s11 =	sadd.s32 s8, s6  }
0x10: {  	s6 =	sor.u32 $0x1C05, s12;
	s8 =	sadd.s32 $0x400, s7;
	s12 =	sadd.s32 s12, s10  }
0x11: {  	s10 =	sadd.s32 $0x20C00, s11;
	s11 =	smax.u32 s14, $0x1;
	s12 =	sadd.s32 s13, s12  }
0x12: {  	s13 =	sshrl.u32 s15, $0x3;
	s14 =	simm.s32 $0x5;
	s15 =	simm.s32 $0x14000  }
.LBB2_1:
0x13: {  	[spmem:s13], [sflag:s6] =	dma.local [hbm:s5], $0x2800  }
0x14: {  	_ =	swait.ge [sflag:s14], $0x2800  }
0x15: {  	[sflag:s14] =	ssyncset.done $0x0  }
0x16: {  	[sflag:s14] =	ssyncadd.s32 $0xFFFFD800  }
0x17: {  	[bflag:$0x0] =	sbarrier.arrive $0xFFFF  }
0x18: {  	[tilespmem:s15], [sflag:$0x5] =	stream.linear.gather [hbm4b:s7+s4], $0x100, $0x38;
	[tilespmem:$0x1C200] =	vst v63  }
0x19: {  	_ =	swait.ge [sflag:s14], $0x100  }
0x1a: {  	[sflag:s14] =	ssyncset.done $0x0  }
0x1b: {  	[sflag:s14] =	ssyncadd.s32 $0xFFFFFF00  }
0x1c: {  	[tilespmem:s17], [sflag:$0x1] =	stream.indirect.gather [hbm4b:s0+s16], $0x80, s15, s16, $0xb8;
	[tilespmem:$0x1C200] =	vst v63  }
0x1d: {  	_ = 	snop  }
0x1e: {  	[tilespmem:s18], [sflag:$0x5] =	stream.linear.gather [hbm4b:s8+s4], $0x100, $0x38;
	[tilespmem:$0x1C200] =	vst v63  }
0x1f: {  	_ =	swait.ge [sflag:s14], $0x100  }
0x20: {  	[sflag:s14] =	ssyncset.done $0x0  }
0x21: {  	[sflag:s14] =	ssyncadd.s32 $0xFFFFFF00  }
0x22: {  	[tilespmem:s19], [sflag:$0x2] =	stream.indirect.gather [hbm4b:s0+s16], $0x80, s18, s16, $0xb8;
	[tilespmem:$0x1C200] =	vst v63  }
0x23: {  	_ =	swait.ge [sflag:s20], $0x4000  }
0x24: {  	[sflag:s20] =	ssyncset.done $0x0  }
0x25: {  	[sflag:s20] =	ssyncadd.s32 $0xFFFFC000  }
0x26: {  	[spmem:s3] =	stream.indirect.scatter.add.f32 [tilespmem:s17], [sflag:$0x3], $0x80, s21, s16, $0xb8;
	[tilespmem:$0x1C200] =	vst v63  }
0x27: {  	_ =	swait.ge [sflag:s22], $0x4000  }
0x28: {  	[sflag:s22] =	ssyncset.done $0x0  }
0x29: {  	[sflag:s22] =	ssyncadd.s32 $0xFFFFC000  }
0x2a: {  	[spmem:s3] =	stream.indirect.scatter.add.f32 [tilespmem:s19], [sflag:$0x4], $0x80, s23, s16, $0xb8;
	[tilespmem:$0x1C200] =	vst v63  }
0x2b: {  	_ =	swait.ge [sflag:s24], $0x4000  }
0x2c: {  	s28 =	sadd.s32 $0xFFFED000, s12;
	[sflag:s24] =	ssyncset.done $0x0  }
0x2d: {  	s29 =	sadd.s32 $0x13800, s28;
	[sflag:s24] =	ssyncadd.s32 $0xFFFFC000  }
0x2e: {  	[tilespmem:s15], [sflag:$0x5] =	stream.linear.gather [hbm4b:s29+s4], $0x100, $0x38;
	[tilespmem:$0x1C200] =	vst v63  }
0x2f: {  	_ =	swait.ge [sflag:s14], $0x100  }
0x30: {  	[sflag:s14] =	ssyncset.done $0x0  }
0x31: {  	[sflag:s14] =	ssyncadd.s32 $0xFFFFFF00  }
0x32: {  	[tilespmem:s17], [sflag:$0x1] =	stream.indirect.gather [hbm4b:s0+s16], $0x80, s15, s16, $0xb8;
	[tilespmem:$0x1C200] =	vst v63  }
0x33: {  	_ =	swait.ge [sflag:s25], $0x4000  }
0x34: {  	[sflag:s25] =	ssyncset.done $0x0  }
0x35: {  	s28 =	sadd.s32 $0x13C00, s28;
	[sflag:s25] =	ssyncadd.s32 $0xFFFFC000  }
0x36: {  	[tilespmem:s18], [sflag:$0x5] =	stream.linear.gather [hbm4b:s28+s4], $0x100, $0x38;
	[tilespmem:$0x1C200] =	vst v63  }
0x37: {  	_ =	swait.ge [sflag:s14], $0x100  }
0x38: {  	[sflag:s14] =	ssyncset.done $0x0  }
0x39: {  	s28 =	simm.s32 $0xFFFED800;
	[sflag:s14] =	ssyncadd.s32 $0xFFFFFF00  }
.LBB2_2:
0x3a: {  	[tilespmem:s19], [sflag:$0x2] =	stream.indirect.gather [hbm4b:s0+s16], $0x80, s18, s16, $0xb8;
	[tilespmem:$0x1C200] =	vst v63  }
0x3b: {  	s29 =	smov.u32 s28  }
0x3c: {  	p1 =	sne.s32 s28, $0xFFFFF800;
	s28 =	sadd.s32 $0x800, s28;
	_ =	swait.ge [sflag:s20], $0x4000  }
0x3d: {  	[sflag:s20] =	ssyncset.done $0x0  }
0x3e: {  	[sflag:s20] =	ssyncadd.s32 $0xFFFFC000  }
0x3f: {  	[spmem:s3] =	stream.indirect.scatter.add.f32 [tilespmem:s17], [sflag:$0x3], $0x80, s21, s16, $0xb8;
	[tilespmem:$0x1C200] =	vst v63  }
0x40: {  	_ =	swait.ge [sflag:s22], $0x4000  }
0x41: {  	[sflag:s22] =	ssyncset.done $0x0  }
0x42: {  	[sflag:s22] =	ssyncadd.s32 $0xFFFFC000  }
0x43: {  	[spmem:s3] =	stream.indirect.scatter.add.f32 [tilespmem:s19], [sflag:$0x4], $0x80, s23, s16, $0xb8;
	[tilespmem:$0x1C200] =	vst v63  }
0x44: {  	_ =	swait.ge [sflag:s24], $0x4000  }
0x45: {  	s29 =	sadd.s32 s29, s12;
	[sflag:s24] =	ssyncset.done $0x0  }
0x46: {  	s30 =	sadd.s32 $0x13800, s29;
	[sflag:s24] =	ssyncadd.s32 $0xFFFFC000  }
0x47: {  	[tilespmem:s15], [sflag:$0x5] =	stream.linear.gather [hbm4b:s30+s4], $0x100, $0x38;
	[tilespmem:$0x1C200] =	vst v63  }
0x48: {  	_ =	swait.ge [sflag:s14], $0x100  }
0x49: {  	[sflag:s14] =	ssyncset.done $0x0  }
0x4a: {  	[sflag:s14] =	ssyncadd.s32 $0xFFFFFF00  }
0x4b: {  	[tilespmem:s17], [sflag:$0x1] =	stream.indirect.gather [hbm4b:s0+s16], $0x80, s15, s16, $0xb8;
	[tilespmem:$0x1C200] =	vst v63  }
0x4c: {  	_ =	swait.ge [sflag:s25], $0x4000  }
0x4d: {  	[sflag:s25] =	ssyncset.done $0x0  }
.Ltmp0:
0x4e: {  	s29 =	sadd.s32 $0x13C00, s29;
	[sflag:s25] =	ssyncadd.s32 $0xFFFFC000;
	(pc) =	sbr.rel @p1 .LBB2_2-.Ltmp0, $4  }
0x4f: {  	[tilespmem:s18], [sflag:$0x5] =	stream.linear.gather [hbm4b:s29+s4], $0x100, $0x38;
	[tilespmem:$0x1C200] =	vst v63  }
0x50: {  	_ =	swait.ge [sflag:s14], $0x100  }
0x51: {  	[sflag:s14] =	ssyncset.done $0x0  }
0x52: {  	[sflag:s14] =	ssyncadd.s32 $0xFFFFFF00  }
0x53: {  	[tilespmem:s19], [sflag:$0x2] =	stream.indirect.gather [hbm4b:s0+s16], $0x80, s18, s16, $0xb8;
	[tilespmem:$0x1C200] =	vst v63  }
0x54: {  	_ =	swait.ge [sflag:s20], $0x4000  }
0x55: {  	[sflag:s20] =	ssyncset.done $0x0  }
0x56: {  	[sflag:s20] =	ssyncadd.s32 $0xFFFFC000  }
0x57: {  	[spmem:s3] =	stream.indirect.scatter.add.f32 [tilespmem:s17], [sflag:$0x3], $0x80, s21, s16, $0xb8;
	[tilespmem:$0x1C200] =	vst v63  }
0x58: {  	_ =	swait.ge [sflag:s22], $0x4000  }
0x59: {  	[sflag:s22] =	ssyncset.done $0x0  }
0x5a: {  	[sflag:s22] =	ssyncadd.s32 $0xFFFFC000  }
0x5b: {  	[spmem:s3] =	stream.indirect.scatter.add.f32 [tilespmem:s19], [sflag:$0x4], $0x80, s23, s16, $0xb8;
	[tilespmem:$0x1C200] =	vst v63  }
0x5c: {  	_ =	swait.ge [sflag:s24], $0x4000  }
0x5d: {  	[sflag:s24] =	ssyncset.done $0x0  }
0x5e: {  	[sflag:s24] =	ssyncadd.s32 $0xFFFFC000  }
0x5f: {  	_ =	swait.ge [sflag:s25], $0x4000  }
0x60: {  	[sflag:s25] =	ssyncset.done $0x0  }
0x61: {  	s28 =	simm.s32 @!p0 $0x0;
	s29 =	simm.s32 @!p0 $0x14000;
	[sflag:s25] =	ssyncadd.s32 $0xFFFFC000  }
0x62: {  	[tilespmem:s29], [sflag:$0x5] =	stream.linear.gather @!p0 [hbm4b:s9+s28], $0x100, $0x38;
	[tilespmem:$0x1C200] =	vst v63  }
0x63: {  	s28 =	simm.s32 @!p0 $0x5  }
0x64: {  	_ =	swait.ge @!p0 [sflag:s28], $0x100  }
0x65: {  	[sflag:s28] =	ssyncset.done @!p0 $0x0  }
0x66: {  	s30 =	simm.s32 @!p0 $0x80;
	s31 =	simm.s32 @!p0 $0x14200;
	[sflag:s28] =	ssyncadd.s32 @!p0 $0xFFFFFF00  }
0x67: {  	[tilespmem:s31], [sflag:$0x1] =	stream.indirect.gather @!p0 [hbm4b:s0+s30], $0x80, s29, s30, $0xb8;
	[tilespmem:$0x1C200] =	vst v63  }
0x68: {  	s29 =	simm.s32 @!p0 $0x1  }
0x69: {  	_ =	swait.ge @!p0 [sflag:s29], $0x4000  }
0x6a: {  	[sflag:s29] =	ssyncset.done @!p0 $0x0  }
0x6b: {  	[sflag:s29] =	ssyncadd.s32 @!p0 $0xFFFFC000;
	s29 =	simm.s32 @!p0 $0x14080  }
0x6c: {  	[spmem:s3] =	stream.indirect.scatter.add.f32 @!p0 [tilespmem:s31], [sflag:$0x5], $0x80, s29, s30, $0xb8;
	[tilespmem:$0x1C200] =	vst v63  }
0x6d: {  	_ =	swait.ge @!p0 [sflag:s28], $0x4000  }
0x6e: {  	s26 =	sadd.s32 $0x1, s26;
	[sflag:s28] =	ssyncset.done @!p0 $0x0  }
0x6f: {  	p1 =	sne.s32 s26, s11;
	[sflag:s28] =	ssyncadd.s32 @!p0 $0xFFFFC000  }
.Ltmp1:
0x70: {  	[bflag:$0x0] =	sbarrier.arrive $0xFFFF;
	(pc) =	sbr.rel @p1 .LBB2_1-.Ltmp1, $4  }
0x71: {  	[hbm:s10], [sflag:s6] =	dma.local [spmem:s13], $0x2800  }
0x72: {  	_ =	swait.ge [sflag:s14], $0x2800  }
0x73: {  	[sflag:s14] =	ssyncset.done $0x0  }
0x74: {  	[sflag:s14] =	ssyncadd.s32 $0xFFFFD800  }
0x75: {  	_ =	sfence.sel $0x180000  }
0x76: {  	[bflag:$0x0] =	sbarrier.arrive $0xFFFF  }
0x77: {  	p0 =	sne.s32 s2, $0x0;
	_ =	strace $0x9000004A  }
0x78: {  	s0 =	sadd.s32 @!p0 $0x100000, s1;
	[bflag:$0x2] =	sbarrier.arrive $0xFFFF  }
0x79: {  	[sflag:s0] =	ssyncadd.tile.s32 @!p0 $0x1;
	_ =	shalt  }
.Lfunc_end2:
_tile_overlayer_lowered:
.L_overlay_start_2:
0x7a: {  	(tag) =	ssettag $0x2  }
0x7b: {  	s0 =	rddreg [dreg:$0x0];
	s2 =	stileid.u32  }
0x7c: {  	s1 =	rddreg [dreg:$0x1];
	p0 =	sne.s32 s2, $0x0  }
0x7d: {  	s3 =	rddreg [dreg:$0x2];
	[bflag:$0x3] =	sbarrier.arrive $0xFFFF;
	s2 =	simm.s32 @!p0 $0x1C05  }
0x7e: {  	[timem:s3], [sflag:s2] =	dma.local @!p0 [hbm:s0], s1  }
0x7f: {  	s0 =	simm.s32 @!p0 $0x5  }
0x80: {  	_ =	swait.ge @!p0 [sflag:s0], s1  }
0x81: {  	s1 =	ssub.s32 @!p0 $0x0, s1;
	[sflag:s0] =	ssyncset.done @!p0 $0x0  }
0x82: {  	[sflag:s0] =	ssyncadd.s32 @!p0 s1  }
0x83: {  	[bflag:$0x3] =	sbarrier.arrive $0xFFFF  }
0x84: {  	_ =	shalt  }

// kernel: kernel.14.cloned.1.call-start
scs
__scs_entry_jumppad:
0x0: {  	(pc) =	sbr.rel $0x88, $3  }
0x1: {  	(tag) =	ssettag $0x0;
	lr =	simm.s32 $0x1  }
0x2: {  	[smem:$0x3F97] =	sst lr;
	_ =	strace $0xD0000000  }
0x3: {  	_ = 	snop  }
0x4: {  	_ = 	snop  }
0x5: {  	_ = 	snop  }
0x6: {  	_ = 	snop  }
0x7: {  	_ = 	snop  }
__scs_overlays_trampoline_lowered:
0x8: {  	[smem:$0x3FA6] =	sst s0  }
0x9: {  	[smem:$0x3FA7] =	sst s1  }
0xa: {  	[smem:$0x3FA8] =	sst s2  }
0xb: {  	[smem:$0x3FA9] =	sst s3  }
0xc: {  	[smem:$0x3FAA] =	sst s4  }
0xd: {  	[smem:$0x3FAB] =	sst s5  }
0xe: {  	[smem:$0x3FAC] =	sst s6  }
0xf: {  	[smem:$0x3FAD] =	sst s7  }
0x10: {  	[smem:$0x3FAE] =	sst s8  }
0x11: {  	[smem:$0x3FAF] =	sst s9;
	s0 =	simm.s32 @!p0 $0x0  }
0x12: {  	s1 =	sld [smem:$0x3F95];
	s0 =	simm.s32 @p0 $0x1  }
0x13: {  	[smem:$0x3FB0] =	sst s0;
	s0 =	simm.s32 @!p1 $0x0  }
0x14: {  	s2 =	sld [smem:$0x3F94];
	s0 =	simm.s32 @p1 $0x1  }
0x15: {  	[smem:$0x3FB1] =	sst s0;
	s0 =	simm.s32 @!p2 $0x0  }
0x16: {  	s3 =	sld [smem:$0x3FDB];
	s0 =	simm.s32 @p2 $0x1  }
0x17: {  	s4 =	simm.s32 $0x1BF5;
	[smem:$0x3FB3] =	sst s0  }
0x18: {  	s0 =	sld [smem:$0x3F96];
	_ =	swait.ge [sflag:s4], $0x0  }
0x19: {  	s7 =	sld [smem:$0x3F97]  }
0x1a: {  	s8 =	sadd.s32 $0xFFFFE003, lr  }
0x1b: {  	s9 =	sadd.s32 $0xFFFFFEF7, lr;
	s5 =	simm.s32 $0xFFFFFFFF;
	p2 =	slt.u32 s8, $0xFFFFF086  }
0x1c: {  	p1 =	slt.u32 s9, $0xF7A;
	s5 =	simm.s32 @!p2 $0x0  }
0x1d: {  	s5 =	simm.s32 @p1 $0x1;
	p0 =	seq.s32 s7, s2  }
0x1e: {  	s7 =	smul.u32 @!p0 $0xF7A, s2;
	p2 =	seq.s32 @!p0 s5, $0x0  }
0x1f: {  	s9 =	smul.u32 $0xF7A, s1;
	s8 =	simm.s32 @!p0 $0x1BF5;
	p2 =	por !p2, p0  }
0x20: {  	[sflag:s8] =	ssyncset.s32 @!p0 $0xFFFFF086;
	s6 =	sadd.s32 @!p0 s3, s7;
	s7 =	simm.s32 @!p0 $0x108  }
0x21: {  	s3 =	sadd.s32 s3, s9;
	s6 =	sadd.s32 @!p0 $0x88, s6;
	s7 =	simm.s32 @p2 $0x1082  }
0x22: {  	[simem:s7], [sflag:s8] =	dma.local @!p0 [hbm:s6], $0xF7A  }
0x23: {  	s9 =	sor.u32 $0xD0000000, s2;
	s6 =	simm.s32 $0x108;
	_ =	swait.ge @!p0 [sflag:s8], $0x0  }
0x24: {  	s3 =	sadd.s32 $0x88, s3;
	s6 =	simm.s32 @!p1 $0x1082;
	[sflag:s4] =	ssyncset.s32 $0xFFFFF086  }
0x25: {  	[simem:s6], [sflag:s4] =	dma.local [hbm:s3], $0xF7A  }
0x26: {  	[smem:$0x3F97] =	sst s1;
	(tag) =	ssettag s2;
	_ =	strace s9  }
0x27: {  	s1 =	sld [smem:$0x3FA7]  }
0x28: {  	s2 =	sld [smem:$0x3FA8]  }
0x29: {  	s4 =	sld [smem:$0x3FAA]  }
0x2a: {  	p0 =	seq.s32 s5, $0x0;
	s5 =	sld [smem:$0x3FAB]  }
0x2b: {  	s6 =	sld [smem:$0x3FAC]  }
0x2c: {  	s7 =	sld [smem:$0x3FAD]  }
0x2d: {  	s3 =	simm.s32 $0x108;
	s8 =	sld [smem:$0x3FAE]  }
0x2e: {  	s3 =	simm.s32 @!p0 $0x1082;
	s9 =	sld [smem:$0x3FAF]  }
0x2f: {  	lr =	sadd.s32 s0, s3;
	s0 =	sld [smem:$0x3FA6]  }
0x30: {  	s3 =	sld [smem:$0x3FA9]  }
0x31: {  	[smem:$0x3FB2] =	sst s10  }
0x32: {  	s10 =	sld [smem:$0x3FB0];
	_ =	sdelay $0x3  }
0x33: {  	p0 =	seq.s32 s10, $0x1;
	s10 =	sld [smem:$0x3FB2];
	_ =	sdelay $0x3  }
0x34: {  	[smem:$0x3FB2] =	sst s10  }
0x35: {  	s10 =	sld [smem:$0x3FB1];
	_ =	sdelay $0x3  }
0x36: {  	p1 =	seq.s32 s10, $0x1;
	s10 =	sld [smem:$0x3FB2];
	_ =	sdelay $0x3  }
0x37: {  	[smem:$0x3FB2] =	sst s10  }
0x38: {  	s10 =	sld [smem:$0x3FB3]  }
0x39: {  	_ = 	snop;
	(pc) =	sbr.ind lr, $3  }
0x3a: {  	_ = 	snop  }
0x3b: {  	_ = 	snop  }
0x3c: {  	p2 =	seq.s32 s10, $0x1;
	s10 =	sld [smem:$0x3FB2]  }
0x3d: {  	_ =	shalt  }
0x3e: {  	_ =	shalt  }
0x3f: {  	_ =	shalt  }
0x40: {  	_ =	shalt  }
0x41: {  	_ =	shalt  }
0x42: {  	_ =	shalt  }
0x43: {  	_ =	shalt  }
0x44: {  	_ =	shalt  }
0x45: {  	_ =	shalt  }
0x46: {  	_ =	shalt  }
0x47: {  	_ =	shalt  }
0x48: {  	_ =	shalt  }
0x49: {  	_ =	shalt  }
0x4a: {  	_ =	shalt  }
0x4b: {  	_ =	shalt  }
0x4c: {  	_ =	shalt  }
0x4d: {  	_ =	shalt  }
0x4e: {  	_ =	shalt  }
0x4f: {  	_ =	shalt  }
0x50: {  	_ =	shalt  }
0x51: {  	_ =	shalt  }
0x52: {  	_ =	shalt  }
0x53: {  	_ =	shalt  }
0x54: {  	_ =	shalt  }
0x55: {  	_ =	shalt  }
0x56: {  	_ =	shalt  }
0x57: {  	_ =	shalt  }
0x58: {  	_ =	shalt  }
0x59: {  	_ =	shalt  }
0x5a: {  	_ =	shalt  }
0x5b: {  	_ =	shalt  }
0x5c: {  	_ =	shalt  }
0x5d: {  	_ =	shalt  }
0x5e: {  	_ =	shalt  }
0x5f: {  	_ =	shalt  }
0x60: {  	_ =	shalt  }
0x61: {  	_ =	shalt  }
0x62: {  	_ =	shalt  }
0x63: {  	_ =	shalt  }
0x64: {  	_ =	shalt  }
0x65: {  	_ =	shalt  }
0x66: {  	_ =	shalt  }
0x67: {  	_ =	shalt  }
0x68: {  	_ =	shalt  }
0x69: {  	_ =	shalt  }
0x6a: {  	_ =	shalt  }
0x6b: {  	_ =	shalt  }
0x6c: {  	_ =	shalt  }
0x6d: {  	_ =	shalt  }
0x6e: {  	_ =	shalt  }
0x6f: {  	_ =	shalt  }
0x70: {  	_ =	shalt  }
0x71: {  	_ =	shalt  }
0x72: {  	_ =	shalt  }
0x73: {  	_ =	shalt  }
0x74: {  	_ =	shalt  }
0x75: {  	_ =	shalt  }
0x76: {  	_ =	shalt  }
0x77: {  	_ =	shalt  }
0x78: {  	_ =	shalt  }
0x79: {  	_ =	shalt  }
0x7a: {  	_ =	shalt  }
0x7b: {  	_ =	shalt  }
0x7c: {  	_ =	shalt  }
0x7d: {  	_ =	shalt  }
0x7e: {  	_ =	shalt  }
0x7f: {  	_ =	shalt  }
0x80: {  	_ =	shalt  }
0x81: {  	_ =	shalt  }
0x82: {  	_ =	shalt  }
0x83: {  	_ =	shalt  }
0x84: {  	_ =	shalt  }
0x85: {  	_ =	shalt  }
0x86: {  	_ =	shalt  }
0x87: {  	_ =	shalt  }
.Lfunc_end0:
.L_simem_size_0:
called_computation.2_lowered:
.L_overlay_start_0:
0x88: {  	s2 =	sld [smem:$0x3FD9]  }
0x89: {  	s3 =	sld [smem:$0x3FFE];
	_ =	sdelay $0x1  }
0x8a: {  	s1 =	srdreg.scid  }
0x8b: {  	s0 =	sand.u32 $0x1, s1  }
0x8c: {  	s17 =	sshll.u32 s0, $0xA;
	s2 =	sadd.s32 s3, s2  }
0x8d: {  	s2 =	sadd.s32 s2, s17  }
0x8e: {  	[smem:$0x3FBE] =	sst s2  }
0x8f: {  	_ = 	snop  }
0x90: {  	s2 =	sld [smem:$0x3FD0];
	(tm) =	ssettm $0x1  }
0x91: {  	s18 =	sld [smem:$0x3FFB];
	_ =	sdelay $0x3  }
0x92: {  	_ =	strace s18  }
0x93: {  	s3 =	sld [smem:$0x3FFC];
	_ =	sdelay $0x3  }
0x94: {  	_ =	strace s3  }
0x95: {  	s3 =	sld [smem:$0x3FFD];
	_ =	sdelay $0x3  }
0x96: {  	_ =	strace s3  }
0x97: {  	_ =	strace $0x8FFFFFFF  }
0x98: {  	s19 =	sld [smem:$0x3FDB];
	_ =	sdelay $0x1  }
0x99: {  	s4 =	simm.s32 $_scs_section_size  }
0x9a: {  	s5 =	simm.s32 $_size__tile_overlayer_lowered;
	s6 =	simm.s32 $_tile_overlayer_lowered  }
0x9b: {  	s22 =	simm.s32 $0x1BFF;
	s21 =	sshll.u32 s6, $0x1;
	s3 =	sadd.s32 s4, s19  }
0x9c: {  	s7 =	simm.s32 $0x0;
	s20 =	sshll.u32 s5, $0x1;
	s5 =	sadd.s32 s21, s3  }
0x9d: {  	[timem:s7], [sflag:s22] =	dma.local [hbm:s5], s20  }
0x9e: {  	_ =	swait.ge [sflag:s22], s20  }
0x9f: {  	s4 =	ssub.s32 $0x0, s20;
	[sflag:s22] =	ssyncset.done $0x0  }
0xa0: {  	[sflag:s22] =	ssyncadd.s32 s4;
	_ =	sdelay $0x1  }
0xa1: {  	s23 =	simm.s32 $0x1B8B  }
0xa2: {  	_ =	swait.ge [sflag:s23], $0x1  }
0xa3: {  	[sflag:s23] =	ssyncset.done $0x0  }
0xa4: {  	s25 =	simm.s32 $0x1B8E;
	s24 =	sld [smem:$0x3FFE];
	[sflag:s23] =	ssyncadd.s32 $0xFFFFFFFF  }
0xa5: {  	s26 =	simm.s32 $execute0_lowered;
	[smem:$0x3FD2] =	sst s25  }
0xa6: {  	s5 =	sshll.u32 s26, $0x1;
	_ =	strace $0x8000004C;
	[dreg:$0x1] =	wrdreg $0xFFFFFFFF  }
0xa7: {  	s28 =	simm.s32 $_size_execute0_lowered;
	s3 =	sadd.s32 s3, s5;
	[dreg:$0x0] =	wrdreg $0x0  }
0xa8: {  	s5 =	sshll.u32 s28, $0x1;
	[dreg:$0x2] =	wrdreg s3  }
0xa9: {  	[dreg:$0x3] =	wrdreg s5  }
0xaa: {  	[dreg:$0x4] =	wrdreg $0xC0  }
0xab: {  	_ =	task [dreg:s7], $0x5FFFF  }
0xac: {  	[dreg:$0x1] =	wrdreg $0xFFFFFFFF  }
0xad: {  	[dreg:$0x0] =	wrdreg $0x60  }
0xae: {  	[dreg:$0x2] =	wrdreg s2  }
0xaf: {  	[dreg:$0x3] =	wrdreg s24  }
0xb0: {  	[dreg:$0x4] =	wrdreg $0x0  }
0xb1: {  	[dreg:$0x5] =	wrdreg $0x9  }
0xb2: {  	_ =	task.clear_ibuf [dreg:s7], $0x6FFFF;
	_ =	strace $0x9000004C  }
0xb3: {  	s29 =	simm.s32 $0x9;
	_ =	strace $0x8000004E  }
0xb4: {  	_ =	swait.ge [sflag:s29], $0x1  }
0xb5: {  	[sflag:s29] =	ssyncadd.s32 $0xFFFFFFFF  }
0xb6: {  	_ =	strace $0x9000004E  }
0xb7: {  	_ =	sfence  }
0xb8: {  	s30 =	sld [smem:$0x0];
	_ =	sdelay $0x2  }
0xb9: {  	s31 =	sshll.u32 s1, $0xD;
	s1 =	sshrl.u32 s1, $0x2  }
0xba: {  	s3 =	sand.u32 $0x4000, s31;
	s1 =	sadd.s32 s1, s30  }
0xbb: {  	s0 =	sor.u32 s3, s0;
	s1 =	sshll.u32 s1, $0x11  }
0xbc: {  	s0 =	sor.u32 s1, s0  }
0xbd: {  	s0 =	sadd.s32 $0x8F2B, s0  }
0xbe: {  	[sflag:s0] =	ssyncadd.remote.s32 $0x1  }
0xbf: {  	_ =	sfence.sel $0xFFFF  }
0xc0: {  	[dreg:$0x0] =	wrdreg $0xFFFFFFFF;
	(pc) =	sbr.abs _section_cstart, $3  }
0xc1: {  	[dreg:$0x1] =	wrdreg $0xFFFFFFFF  }
0xc2: {  	_ =	task.clear_ibuf [dreg:s7], $0x2FFFF;
	_ =	strace $0x9FFFFFFF  }
0xc3: {  	(tm) =	ssettm $0x7FFFFFFF  }
tec
execute0_lowered:
.L_overlay_start_1:
0x0: {  	(tag) =	ssettag $0x1  }
0x1: {  	s0 =	rddreg [dreg:$0x0]  }
0x2: {  	s6 =	rddreg [dreg:$0x1]  }
0x3: {  	s1 =	srdreg.scid;
	s3 =	rddreg [dreg:$0x2]  }
0x4: {  	s2 =	stileid.u32;
	s4 =	simm.s32 $0x0;
	s16 =	simm.s32 $0x80  }
0x5: {  	s17 =	simm.s32 $0x14200;
	s18 =	simm.s32 $0x14100;
	s19 =	simm.s32 $0x18200  }
0x6: {  	s20 =	simm.s32 $0x1;
	s21 =	simm.s32 $0x14080;
	s22 =	simm.s32 $0x2  }
0x7: {  	s23 =	simm.s32 $0x14180;
	s24 =	simm.s32 $0x3;
	s25 =	simm.s32 $0x4  }
0x8: {  	s26 =	simm.s32 $0x0;
	s7 =	sand.u32 $0x1, s1;
	s1 =	rddreg [dreg:$0x3]  }
0x9: {  	s8 =	smul.u32 $0x14000, s2;
	[smem:$0x7FF] =	sst s4;
	s10 =	sadd.s32 $0xD200, s6  }
0xa: {  	s30 =	smul.u32 $0x50000, s2;
	s12 =	sshll.u32 s2, $0x6;
	p0 =	sgt.u32 s2, $0x1  }
0xb: {  	s5 =	smul.u32 $0x140000, s7;
	_ =	strace $0x8000004D;
	s29 =	ssub.s32 $0x2, s7  }
0xc: {  	s13 =	sshll.u32 s7, $0x5;
	s9 =	sshrl.u32 s29, $0x1;
	s31 =	sshrl.u32 s30, $0x2  }
0xd: {  	s7 =	sor.u32 s13, s12;
	s8 =	sadd.s32 s8, s5;
	s5 =	sadd.s32 $0x3400, s6  }
0xe: {  	s14 =	ssub.s32 s29, s9;
	s7 =	sadd.s32 s10, s7;
	s8 =	sshrl.u32 s8, $0x3  }
0xf: {  	s15 =	sadd.s32 s31, s3;
	s9 =	sadd.s32 $0x13800, s7;
	s11 =	sadd.s32 s8, s6  }
0x10: {  	s6 =	sor.u32 $0x1C05, s12;
	s8 =	sadd.s32 $0x400, s7;
	s12 =	sadd.s32 s12, s10  }
0x11: {  	s10 =	sadd.s32 $0x20C00, s11;
	s11 =	smax.u32 s14, $0x1;
	s12 =	sadd.s32 s13, s12  }
0x12: {  	s13 =	sshrl.u32 s15, $0x3;
	s14 =	simm.s32 $0x5;
	s15 =	simm.s32 $0x14000  }
.LBB2_1:
0x13: {  	[spmem:s13], [sflag:s6] =	dma.local [hbm:s5], $0x2800  }
0x14: {  	_ =	swait.ge [sflag:s14], $0x2800  }
0x15: {  	[sflag:s14] =	ssyncset.done $0x0  }
0x16: {  	[sflag:s14] =	ssyncadd.s32 $0xFFFFD800  }
0x17: {  	[bflag:$0x0] =	sbarrier.arrive $0xFFFF  }
0x18: {  	[tilespmem:s15], [sflag:$0x5] =	stream.linear.gather [hbm4b:s7+s4], $0x100, $0x38;
	[tilespmem:$0x1C200] =	vst v63  }
0x19: {  	_ =	swait.ge [sflag:s14], $0x100  }
0x1a: {  	[sflag:s14] =	ssyncset.done $0x0  }
0x1b: {  	[sflag:s14] =	ssyncadd.s32 $0xFFFFFF00  }
0x1c: {  	[tilespmem:s17], [sflag:$0x1] =	stream.indirect.gather [hbm4b:s0+s16], $0x80, s15, s16, $0xb8;
	[tilespmem:$0x1C200] =	vst v63  }
0x1d: {  	_ = 	snop  }
0x1e: {  	[tilespmem:s18], [sflag:$0x5] =	stream.linear.gather [hbm4b:s8+s4], $0x100, $0x38;
	[tilespmem:$0x1C200] =	vst v63  }
0x1f: {  	_ =	swait.ge [sflag:s14], $0x100  }
0x20: {  	[sflag:s14] =	ssyncset.done $0x0  }
0x21: {  	[sflag:s14] =	ssyncadd.s32 $0xFFFFFF00  }
0x22: {  	[tilespmem:s19], [sflag:$0x2] =	stream.indirect.gather [hbm4b:s0+s16], $0x80, s18, s16, $0xb8;
	[tilespmem:$0x1C200] =	vst v63  }
0x23: {  	_ =	swait.ge [sflag:s20], $0x4000  }
0x24: {  	[sflag:s20] =	ssyncset.done $0x0  }
0x25: {  	[sflag:s20] =	ssyncadd.s32 $0xFFFFC000  }
0x26: {  	[spmem:s3] =	stream.indirect.scatter.add.f32 [tilespmem:s17], [sflag:$0x3], $0x80, s21, s16, $0xb8;
	[tilespmem:$0x1C200] =	vst v63  }
0x27: {  	_ =	swait.ge [sflag:s22], $0x4000  }
0x28: {  	[sflag:s22] =	ssyncset.done $0x0  }
0x29: {  	[sflag:s22] =	ssyncadd.s32 $0xFFFFC000  }
0x2a: {  	[spmem:s3] =	stream.indirect.scatter.add.f32 [tilespmem:s19], [sflag:$0x4], $0x80, s23, s16, $0xb8;
	[tilespmem:$0x1C200] =	vst v63  }
0x2b: {  	_ =	swait.ge [sflag:s24], $0x4000  }
0x2c: {  	s28 =	sadd.s32 $0xFFFED000, s12;
	[sflag:s24] =	ssyncset.done $0x0  }
0x2d: {  	s29 =	sadd.s32 $0x13800, s28;
	[sflag:s24] =	ssyncadd.s32 $0xFFFFC000  }
0x2e: {  	[tilespmem:s15], [sflag:$0x5] =	stream.linear.gather [hbm4b:s29+s4], $0x100, $0x38;
	[tilespmem:$0x1C200] =	vst v63  }
0x2f: {  	_ =	swait.ge [sflag:s14], $0x100  }
0x30: {  	[sflag:s14] =	ssyncset.done $0x0  }
0x31: {  	[sflag:s14] =	ssyncadd.s32 $0xFFFFFF00  }
0x32: {  	[tilespmem:s17], [sflag:$0x1] =	stream.indirect.gather [hbm4b:s0+s16], $0x80, s15, s16, $0xb8;
	[tilespmem:$0x1C200] =	vst v63  }
0x33: {  	_ =	swait.ge [sflag:s25], $0x4000  }
0x34: {  	[sflag:s25] =	ssyncset.done $0x0  }
0x35: {  	s28 =	sadd.s32 $0x13C00, s28;
	[sflag:s25] =	ssyncadd.s32 $0xFFFFC000  }
0x36: {  	[tilespmem:s18], [sflag:$0x5] =	stream.linear.gather [hbm4b:s28+s4], $0x100, $0x38;
	[tilespmem:$0x1C200] =	vst v63  }
0x37: {  	_ =	swait.ge [sflag:s14], $0x100  }
0x38: {  	[sflag:s14] =	ssyncset.done $0x0  }
0x39: {  	s28 =	simm.s32 $0xFFFED800;
	[sflag:s14] =	ssyncadd.s32 $0xFFFFFF00  }
.LBB2_2:
0x3a: {  	[tilespmem:s19], [sflag:$0x2] =	stream.indirect.gather [hbm4b:s0+s16], $0x80, s18, s16, $0xb8;
	[tilespmem:$0x1C200] =	vst v63  }
0x3b: {  	s29 =	smov.u32 s28  }
0x3c: {  	p1 =	sne.s32 s28, $0xFFFFF800;
	s28 =	sadd.s32 $0x800, s28;
	_ =	swait.ge [sflag:s20], $0x4000  }
0x3d: {  	[sflag:s20] =	ssyncset.done $0x0  }
0x3e: {  	[sflag:s20] =	ssyncadd.s32 $0xFFFFC000  }
0x3f: {  	[spmem:s3] =	stream.indirect.scatter.add.f32 [tilespmem:s17], [sflag:$0x3], $0x80, s21, s16, $0xb8;
	[tilespmem:$0x1C200] =	vst v63  }
0x40: {  	_ =	swait.ge [sflag:s22], $0x4000  }
0x41: {  	[sflag:s22] =	ssyncset.done $0x0  }
0x42: {  	[sflag:s22] =	ssyncadd.s32 $0xFFFFC000  }
0x43: {  	[spmem:s3] =	stream.indirect.scatter.add.f32 [tilespmem:s19], [sflag:$0x4], $0x80, s23, s16, $0xb8;
	[tilespmem:$0x1C200] =	vst v63  }
0x44: {  	_ =	swait.ge [sflag:s24], $0x4000  }
0x45: {  	s29 =	sadd.s32 s29, s12;
	[sflag:s24] =	ssyncset.done $0x0  }
0x46: {  	s30 =	sadd.s32 $0x13800, s29;
	[sflag:s24] =	ssyncadd.s32 $0xFFFFC000  }
0x47: {  	[tilespmem:s15], [sflag:$0x5] =	stream.linear.gather [hbm4b:s30+s4], $0x100, $0x38;
	[tilespmem:$0x1C200] =	vst v63  }
0x48: {  	_ =	swait.ge [sflag:s14], $0x100  }
0x49: {  	[sflag:s14] =	ssyncset.done $0x0  }
0x4a: {  	[sflag:s14] =	ssyncadd.s32 $0xFFFFFF00  }
0x4b: {  	[tilespmem:s17], [sflag:$0x1] =	stream.indirect.gather [hbm4b:s0+s16], $0x80, s15, s16, $0xb8;
	[tilespmem:$0x1C200] =	vst v63  }
0x4c: {  	_ =	swait.ge [sflag:s25], $0x4000  }
0x4d: {  	[sflag:s25] =	ssyncset.done $0x0  }
.Ltmp0:
0x4e: {  	s29 =	sadd.s32 $0x13C00, s29;
	[sflag:s25] =	ssyncadd.s32 $0xFFFFC000;
	(pc) =	sbr.rel @p1 .LBB2_2-.Ltmp0, $4  }
0x4f: {  	[tilespmem:s18], [sflag:$0x5] =	stream.linear.gather [hbm4b:s29+s4], $0x100, $0x38;
	[tilespmem:$0x1C200] =	vst v63  }
0x50: {  	_ =	swait.ge [sflag:s14], $0x100  }
0x51: {  	[sflag:s14] =	ssyncset.done $0x0  }
0x52: {  	[sflag:s14] =	ssyncadd.s32 $0xFFFFFF00  }
0x53: {  	[tilespmem:s19], [sflag:$0x2] =	stream.indirect.gather [hbm4b:s0+s16], $0x80, s18, s16, $0xb8;
	[tilespmem:$0x1C200] =	vst v63  }
0x54: {  	_ =	swait.ge [sflag:s20], $0x4000  }
0x55: {  	[sflag:s20] =	ssyncset.done $0x0  }
0x56: {  	[sflag:s20] =	ssyncadd.s32 $0xFFFFC000  }
0x57: {  	[spmem:s3] =	stream.indirect.scatter.add.f32 [tilespmem:s17], [sflag:$0x3], $0x80, s21, s16, $0xb8;
	[tilespmem:$0x1C200] =	vst v63  }
0x58: {  	_ =	swait.ge [sflag:s22], $0x4000  }
0x59: {  	[sflag:s22] =	ssyncset.done $0x0  }
0x5a: {  	[sflag:s22] =	ssyncadd.s32 $0xFFFFC000  }
0x5b: {  	[spmem:s3] =	stream.indirect.scatter.add.f32 [tilespmem:s19], [sflag:$0x4], $0x80, s23, s16, $0xb8;
	[tilespmem:$0x1C200] =	vst v63  }
0x5c: {  	_ =	swait.ge [sflag:s24], $0x4000  }
0x5d: {  	[sflag:s24] =	ssyncset.done $0x0  }
0x5e: {  	[sflag:s24] =	ssyncadd.s32 $0xFFFFC000  }
0x5f: {  	_ =	swait.ge [sflag:s25], $0x4000  }
0x60: {  	[sflag:s25] =	ssyncset.done $0x0  }
0x61: {  	s28 =	simm.s32 @!p0 $0x0;
	s29 =	simm.s32 @!p0 $0x14000;
	[sflag:s25] =	ssyncadd.s32 $0xFFFFC000  }
0x62: {  	[tilespmem:s29], [sflag:$0x5] =	stream.linear.gather @!p0 [hbm4b:s9+s28], $0x100, $0x38;
	[tilespmem:$0x1C200] =	vst v63  }
0x63: {  	s28 =	simm.s32 @!p0 $0x5  }
0x64: {  	_ =	swait.ge @!p0 [sflag:s28], $0x100  }
0x65: {  	[sflag:s28] =	ssyncset.done @!p0 $0x0  }
0x66: {  	s30 =	simm.s32 @!p0 $0x80;
	s31 =	simm.s32 @!p0 $0x14200;
	[sflag:s28] =	ssyncadd.s32 @!p0 $0xFFFFFF00  }
0x67: {  	[tilespmem:s31], [sflag:$0x1] =	stream.indirect.gather @!p0 [hbm4b:s0+s30], $0x80, s29, s30, $0xb8;
	[tilespmem:$0x1C200] =	vst v63  }
0x68: {  	s29 =	simm.s32 @!p0 $0x1  }
0x69: {  	_ =	swait.ge @!p0 [sflag:s29], $0x4000  }
0x6a: {  	[sflag:s29] =	ssyncset.done @!p0 $0x0  }
0x6b: {  	[sflag:s29] =	ssyncadd.s32 @!p0 $0xFFFFC000;
	s29 =	simm.s32 @!p0 $0x14080  }
0x6c: {  	[spmem:s3] =	stream.indirect.scatter.add.f32 @!p0 [tilespmem:s31], [sflag:$0x5], $0x80, s29, s30, $0xb8;
	[tilespmem:$0x1C200] =	vst v63  }
0x6d: {  	_ =	swait.ge @!p0 [sflag:s28], $0x4000  }
0x6e: {  	s26 =	sadd.s32 $0x1, s26;
	[sflag:s28] =	ssyncset.done @!p0 $0x0  }
0x6f: {  	p1 =	sne.s32 s26, s11;
	[sflag:s28] =	ssyncadd.s32 @!p0 $0xFFFFC000  }
.Ltmp1:
0x70: {  	[bflag:$0x0] =	sbarrier.arrive $0xFFFF;
	(pc) =	sbr.rel @p1 .LBB2_1-.Ltmp1, $4  }
0x71: {  	[hbm:s10], [sflag:s6] =	dma.local [spmem:s13], $0x2800  }
0x72: {  	_ =	swait.ge [sflag:s14], $0x2800  }
0x73: {  	[sflag:s14] =	ssyncset.done $0x0  }
0x74: {  	[sflag:s14] =	ssyncadd.s32 $0xFFFFD800  }
0x75: {  	_ =	sfence.sel $0x180000  }
0x76: {  	[bflag:$0x0] =	sbarrier.arrive $0xFFFF  }
0x77: {  	p0 =	sne.s32 s2, $0x0;
	_ =	strace $0x9000004D  }
0x78: {  	s0 =	sadd.s32 @!p0 $0x100000, s1;
	[bflag:$0x2] =	sbarrier.arrive $0xFFFF  }
0x79: {  	[sflag:s0] =	ssyncadd.tile.s32 @!p0 $0x1;
	_ =	shalt  }
.Lfunc_end2:
_tile_overlayer_lowered:
.L_overlay_start_2:
0x7a: {  	(tag) =	ssettag $0x2  }
0x7b: {  	s0 =	rddreg [dreg:$0x0];
	s2 =	stileid.u32  }
0x7c: {  	s1 =	rddreg [dreg:$0x1];
	p0 =	sne.s32 s2, $0x0  }
0x7d: {  	s3 =	rddreg [dreg:$0x2];
	[bflag:$0x3] =	sbarrier.arrive $0xFFFF;
	s2 =	simm.s32 @!p0 $0x1C05  }
0x7e: {  	[timem:s3], [sflag:s2] =	dma.local @!p0 [hbm:s0], s1  }
0x7f: {  	s0 =	simm.s32 @!p0 $0x5  }
0x80: {  	_ =	swait.ge @!p0 [sflag:s0], s1  }
0x81: {  	s1 =	ssub.s32 @!p0 $0x0, s1;
	[sflag:s0] =	ssyncset.done @!p0 $0x0  }
0x82: {  	[sflag:s0] =	ssyncadd.s32 @!p0 s1  }
0x83: {  	[bflag:$0x3] =	sbarrier.arrive $0xFFFF  }
0x84: {  	_ =	shalt  }

// kernel: kernel.8.cloned.1.call-start
scs
__scs_entry_jumppad:
0x0: {  	(pc) =	sbr.rel $0x88, $3  }
0x1: {  	(tag) =	ssettag $0x0;
	lr =	simm.s32 $0x1  }
0x2: {  	[smem:$0x3F97] =	sst lr;
	_ =	strace $0xD0000000  }
0x3: {  	_ = 	snop  }
0x4: {  	_ = 	snop  }
0x5: {  	_ = 	snop  }
0x6: {  	_ = 	snop  }
0x7: {  	_ = 	snop  }
__scs_overlays_trampoline_lowered:
0x8: {  	[smem:$0x3FA6] =	sst s0  }
0x9: {  	[smem:$0x3FA7] =	sst s1  }
0xa: {  	[smem:$0x3FA8] =	sst s2  }
0xb: {  	[smem:$0x3FA9] =	sst s3  }
0xc: {  	[smem:$0x3FAA] =	sst s4  }
0xd: {  	[smem:$0x3FAB] =	sst s5  }
0xe: {  	[smem:$0x3FAC] =	sst s6  }
0xf: {  	[smem:$0x3FAD] =	sst s7  }
0x10: {  	[smem:$0x3FAE] =	sst s8  }
0x11: {  	[smem:$0x3FAF] =	sst s9;
	s0 =	simm.s32 @!p0 $0x0  }
0x12: {  	s1 =	sld [smem:$0x3F95];
	s0 =	simm.s32 @p0 $0x1  }
0x13: {  	[smem:$0x3FB0] =	sst s0;
	s0 =	simm.s32 @!p1 $0x0  }
0x14: {  	s2 =	sld [smem:$0x3F94];
	s0 =	simm.s32 @p1 $0x1  }
0x15: {  	[smem:$0x3FB1] =	sst s0;
	s0 =	simm.s32 @!p2 $0x0  }
0x16: {  	s3 =	sld [smem:$0x3FDB];
	s0 =	simm.s32 @p2 $0x1  }
0x17: {  	s4 =	simm.s32 $0x1BF5;
	[smem:$0x3FB3] =	sst s0  }
0x18: {  	s0 =	sld [smem:$0x3F96];
	_ =	swait.ge [sflag:s4], $0x0  }
0x19: {  	s7 =	sld [smem:$0x3F97]  }
0x1a: {  	s8 =	sadd.s32 $0xFFFFE003, lr  }
0x1b: {  	s9 =	sadd.s32 $0xFFFFFEF7, lr;
	s5 =	simm.s32 $0xFFFFFFFF;
	p2 =	slt.u32 s8, $0xFFFFF086  }
0x1c: {  	p1 =	slt.u32 s9, $0xF7A;
	s5 =	simm.s32 @!p2 $0x0  }
0x1d: {  	s5 =	simm.s32 @p1 $0x1;
	p0 =	seq.s32 s7, s2  }
0x1e: {  	s7 =	smul.u32 @!p0 $0xF7A, s2;
	p2 =	seq.s32 @!p0 s5, $0x0  }
0x1f: {  	s9 =	smul.u32 $0xF7A, s1;
	s8 =	simm.s32 @!p0 $0x1BF5;
	p2 =	por !p2, p0  }
0x20: {  	[sflag:s8] =	ssyncset.s32 @!p0 $0xFFFFF086;
	s6 =	sadd.s32 @!p0 s3, s7;
	s7 =	simm.s32 @!p0 $0x108  }
0x21: {  	s3 =	sadd.s32 s3, s9;
	s6 =	sadd.s32 @!p0 $0x88, s6;
	s7 =	simm.s32 @p2 $0x1082  }
0x22: {  	[simem:s7], [sflag:s8] =	dma.local @!p0 [hbm:s6], $0xF7A  }
0x23: {  	s9 =	sor.u32 $0xD0000000, s2;
	s6 =	simm.s32 $0x108;
	_ =	swait.ge @!p0 [sflag:s8], $0x0  }
0x24: {  	s3 =	sadd.s32 $0x88, s3;
	s6 =	simm.s32 @!p1 $0x1082;
	[sflag:s4] =	ssyncset.s32 $0xFFFFF086  }
0x25: {  	[simem:s6], [sflag:s4] =	dma.local [hbm:s3], $0xF7A  }
0x26: {  	[smem:$0x3F97] =	sst s1;
	(tag) =	ssettag s2;
	_ =	strace s9  }
0x27: {  	s1 =	sld [smem:$0x3FA7]  }
0x28: {  	s2 =	sld [smem:$0x3FA8]  }
0x29: {  	s4 =	sld [smem:$0x3FAA]  }
0x2a: {  	p0 =	seq.s32 s5, $0x0;
	s5 =	sld [smem:$0x3FAB]  }
0x2b: {  	s6 =	sld [smem:$0x3FAC]  }
0x2c: {  	s7 =	sld [smem:$0x3FAD]  }
0x2d: {  	s3 =	simm.s32 $0x108;
	s8 =	sld [smem:$0x3FAE]  }
0x2e: {  	s3 =	simm.s32 @!p0 $0x1082;
	s9 =	sld [smem:$0x3FAF]  }
0x2f: {  	lr =	sadd.s32 s0, s3;
	s0 =	sld [smem:$0x3FA6]  }
0x30: {  	s3 =	sld [smem:$0x3FA9]  }
0x31: {  	[smem:$0x3FB2] =	sst s10  }
0x32: {  	s10 =	sld [smem:$0x3FB0];
	_ =	sdelay $0x3  }
0x33: {  	p0 =	seq.s32 s10, $0x1;
	s10 =	sld [smem:$0x3FB2];
	_ =	sdelay $0x3  }
0x34: {  	[smem:$0x3FB2] =	sst s10  }
0x35: {  	s10 =	sld [smem:$0x3FB1];
	_ =	sdelay $0x3  }
0x36: {  	p1 =	seq.s32 s10, $0x1;
	s10 =	sld [smem:$0x3FB2];
	_ =	sdelay $0x3  }
0x37: {  	[smem:$0x3FB2] =	sst s10  }
0x38: {  	s10 =	sld [smem:$0x3FB3]  }
0x39: {  	_ = 	snop;
	(pc) =	sbr.ind lr, $3  }
0x3a: {  	_ = 	snop  }
0x3b: {  	_ = 	snop  }
0x3c: {  	p2 =	seq.s32 s10, $0x1;
	s10 =	sld [smem:$0x3FB2]  }
0x3d: {  	_ =	shalt  }
0x3e: {  	_ =	shalt  }
0x3f: {  	_ =	shalt  }
0x40: {  	_ =	shalt  }
0x41: {  	_ =	shalt  }
0x42: {  	_ =	shalt  }
0x43: {  	_ =	shalt  }
0x44: {  	_ =	shalt  }
0x45: {  	_ =	shalt  }
0x46: {  	_ =	shalt  }
0x47: {  	_ =	shalt  }
0x48: {  	_ =	shalt  }
0x49: {  	_ =	shalt  }
0x4a: {  	_ =	shalt  }
0x4b: {  	_ =	shalt  }
0x4c: {  	_ =	shalt  }
0x4d: {  	_ =	shalt  }
0x4e: {  	_ =	shalt  }
0x4f: {  	_ =	shalt  }
0x50: {  	_ =	shalt  }
0x51: {  	_ =	shalt  }
0x52: {  	_ =	shalt  }
0x53: {  	_ =	shalt  }
0x54: {  	_ =	shalt  }
0x55: {  	_ =	shalt  }
0x56: {  	_ =	shalt  }
0x57: {  	_ =	shalt  }
0x58: {  	_ =	shalt  }
0x59: {  	_ =	shalt  }
0x5a: {  	_ =	shalt  }
0x5b: {  	_ =	shalt  }
0x5c: {  	_ =	shalt  }
0x5d: {  	_ =	shalt  }
0x5e: {  	_ =	shalt  }
0x5f: {  	_ =	shalt  }
0x60: {  	_ =	shalt  }
0x61: {  	_ =	shalt  }
0x62: {  	_ =	shalt  }
0x63: {  	_ =	shalt  }
0x64: {  	_ =	shalt  }
0x65: {  	_ =	shalt  }
0x66: {  	_ =	shalt  }
0x67: {  	_ =	shalt  }
0x68: {  	_ =	shalt  }
0x69: {  	_ =	shalt  }
0x6a: {  	_ =	shalt  }
0x6b: {  	_ =	shalt  }
0x6c: {  	_ =	shalt  }
0x6d: {  	_ =	shalt  }
0x6e: {  	_ =	shalt  }
0x6f: {  	_ =	shalt  }
0x70: {  	_ =	shalt  }
0x71: {  	_ =	shalt  }
0x72: {  	_ =	shalt  }
0x73: {  	_ =	shalt  }
0x74: {  	_ =	shalt  }
0x75: {  	_ =	shalt  }
0x76: {  	_ =	shalt  }
0x77: {  	_ =	shalt  }
0x78: {  	_ =	shalt  }
0x79: {  	_ =	shalt  }
0x7a: {  	_ =	shalt  }
0x7b: {  	_ =	shalt  }
0x7c: {  	_ =	shalt  }
0x7d: {  	_ =	shalt  }
0x7e: {  	_ =	shalt  }
0x7f: {  	_ =	shalt  }
0x80: {  	_ =	shalt  }
0x81: {  	_ =	shalt  }
0x82: {  	_ =	shalt  }
0x83: {  	_ =	shalt  }
0x84: {  	_ =	shalt  }
0x85: {  	_ =	shalt  }
0x86: {  	_ =	shalt  }
0x87: {  	_ =	shalt  }
.Lfunc_end0:
.L_simem_size_0:
called_computation_lowered:
.L_overlay_start_0:
0x88: {  	s2 =	sld [smem:$0x3FD9]  }
0x89: {  	s3 =	sld [smem:$0x3FFE];
	_ =	sdelay $0x1  }
0x8a: {  	s1 =	srdreg.scid  }
0x8b: {  	s0 =	sand.u32 $0x1, s1  }
0x8c: {  	s17 =	sshll.u32 s0, $0xA;
	s2 =	sadd.s32 s3, s2  }
0x8d: {  	s2 =	sadd.s32 s2, s17  }
0x8e: {  	[smem:$0x3FBE] =	sst s2  }
0x8f: {  	_ = 	snop  }
0x90: {  	s2 =	sld [smem:$0x3FD0];
	(tm) =	ssettm $0x1  }
0x91: {  	s18 =	sld [smem:$0x3FFB];
	_ =	sdelay $0x3  }
0x92: {  	_ =	strace s18  }
0x93: {  	s3 =	sld [smem:$0x3FFC];
	_ =	sdelay $0x3  }
0x94: {  	_ =	strace s3  }
0x95: {  	s3 =	sld [smem:$0x3FFD];
	_ =	sdelay $0x3  }
0x96: {  	_ =	strace s3  }
0x97: {  	_ =	strace $0x8FFFFFFF  }
0x98: {  	s19 =	sld [smem:$0x3FDB];
	_ =	sdelay $0x1  }
0x99: {  	s4 =	simm.s32 $_scs_section_size  }
0x9a: {  	s5 =	simm.s32 $_size__tile_overlayer_lowered;
	s6 =	simm.s32 $_tile_overlayer_lowered  }
0x9b: {  	s22 =	simm.s32 $0x1BFF;
	s21 =	sshll.u32 s6, $0x1;
	s3 =	sadd.s32 s4, s19  }
0x9c: {  	s7 =	simm.s32 $0x0;
	s20 =	sshll.u32 s5, $0x1;
	s5 =	sadd.s32 s21, s3  }
0x9d: {  	[timem:s7], [sflag:s22] =	dma.local [hbm:s5], s20  }
0x9e: {  	_ =	swait.ge [sflag:s22], s20  }
0x9f: {  	s4 =	ssub.s32 $0x0, s20;
	[sflag:s22] =	ssyncset.done $0x0  }
0xa0: {  	[sflag:s22] =	ssyncadd.s32 s4;
	_ =	sdelay $0x1  }
0xa1: {  	s23 =	simm.s32 $0x1B8B  }
0xa2: {  	_ =	swait.ge [sflag:s23], $0x1  }
0xa3: {  	[sflag:s23] =	ssyncset.done $0x0  }
0xa4: {  	s25 =	simm.s32 $0x1B8E;
	s24 =	sld [smem:$0x3FFE];
	[sflag:s23] =	ssyncadd.s32 $0xFFFFFFFF  }
0xa5: {  	s26 =	simm.s32 $execute0_lowered;
	[smem:$0x3FD2] =	sst s25  }
0xa6: {  	s5 =	sshll.u32 s26, $0x1;
	_ =	strace $0x80000046;
	[dreg:$0x1] =	wrdreg $0xFFFFFFFF  }
0xa7: {  	s28 =	simm.s32 $_size_execute0_lowered;
	s3 =	sadd.s32 s3, s5;
	[dreg:$0x0] =	wrdreg $0x0  }
0xa8: {  	s5 =	sshll.u32 s28, $0x1;
	[dreg:$0x2] =	wrdreg s3  }
0xa9: {  	[dreg:$0x3] =	wrdreg s5  }
0xaa: {  	[dreg:$0x4] =	wrdreg $0xC0  }
0xab: {  	_ =	task [dreg:s7], $0x5FFFF  }
0xac: {  	[dreg:$0x1] =	wrdreg $0xFFFFFFFF  }
0xad: {  	[dreg:$0x0] =	wrdreg $0x60  }
0xae: {  	[dreg:$0x2] =	wrdreg s24  }
0xaf: {  	[dreg:$0x3] =	wrdreg s2  }
0xb0: {  	[dreg:$0x4] =	wrdreg $0x9  }
0xb1: {  	_ =	task.clear_ibuf [dreg:s7], $0x5FFFF;
	_ =	strace $0x90000046  }
0xb2: {  	s29 =	simm.s32 $0x9;
	_ =	strace $0x80000048  }
0xb3: {  	_ =	swait.ge [sflag:s29], $0x1  }
0xb4: {  	[sflag:s29] =	ssyncadd.s32 $0xFFFFFFFF  }
0xb5: {  	_ =	strace $0x90000048  }
0xb6: {  	_ =	sfence  }
0xb7: {  	s30 =	sld [smem:$0x0];
	_ =	sdelay $0x2  }
0xb8: {  	s31 =	sshll.u32 s1, $0xD;
	s1 =	sshrl.u32 s1, $0x2  }
0xb9: {  	s3 =	sand.u32 $0x4000, s31;
	s1 =	sadd.s32 s1, s30  }
0xba: {  	s0 =	sor.u32 s3, s0;
	s1 =	sshll.u32 s1, $0x11  }
0xbb: {  	s0 =	sor.u32 s1, s0  }
0xbc: {  	s0 =	sadd.s32 $0x8F2B, s0  }
0xbd: {  	[sflag:s0] =	ssyncadd.remote.s32 $0x1  }
0xbe: {  	_ =	sfence.sel $0xFFFF  }
0xbf: {  	[dreg:$0x0] =	wrdreg $0xFFFFFFFF;
	(pc) =	sbr.abs _section_cstart, $3  }
0xc0: {  	[dreg:$0x1] =	wrdreg $0xFFFFFFFF  }
0xc1: {  	_ =	task.clear_ibuf [dreg:s7], $0x2FFFF;
	_ =	strace $0x9FFFFFFF  }
0xc2: {  	(tm) =	ssettm $0x7FFFFFFF  }
0xc3: {  	_ =	shalt  }
tec
execute0_lowered:
.L_overlay_start_1:
0x0: {  	(tag) =	ssettag $0x1  }
0x1: {  	s3 =	rddreg [dreg:$0x0]  }
0x2: {  	s1 =	srdreg.scid;
	s0 =	stileid.u32  }
0x3: {  	s4 =	rddreg [dreg:$0x1];
	s5 =	sand.u32 $0x1, s1;
	s2 =	sshll.u32 s0, $0x1  }
0x4: {  	s1 =	rddreg [dreg:$0x2];
	s6 =	sor.u32 s5, s2  }
0x5: {  	s2 =	simm.s32 $0x0;
	s5 =	ssub.s32 $0x2, s5;
	s7 =	smul.u32 $0x4E2, s6  }
0x6: {  	[smem:$0x7FF] =	sst s2;
	s8 =	sshrl.u32 s5, $0x1;
	s6 =	smul.u32 $0x4F0, s6  }
0x7: {  	_ =	strace $0x80000047;
	s5 =	ssub.s32 s5, s8;
	s8 =	simm.s32 $0x0  }
0x8: {  	s3 =	sadd.s32 s7, s3;
	s4 =	sadd.s32 s4, s6;
	s5 =	smax.u32 s5, $0x1  }
0x9: {  	v0 =	vimm.f32 $0.0e+00;
	v1 =	vimm.f32 $1.000000000e+00;
	s6 =	simm.s32 $0x2780;
	s7 =	simm.s32 $0x1;
	s3 =	sadd.s32 $0x3400, s3  }
.LBB2_1:
0xa: {  	s9 =	simm.s32 $0x40;
	s10 =	simm.s32 $0x0  }
.LBB2_2:
0xb: {  	p0 =	sne.s32 s9, $0x9C00;
	[tilespmem:s10+$0x0] =	vst v0;
	s10 =	smov.u32 s9;
	s9 =	sadd.s32 $0x40, s9  }
.Ltmp0:
0xc: {  	(pc) =	sbr.rel @p0 .LBB2_2-.Ltmp0, $2  }
0xd: {  	_ =	sdelay $0x2  }
0xe: {  	s10 =	sshra.s32 s10, $0x2  }
0xf: {  	[tilespmem:s10+$0x0] =	vst v0;
	s9 =	simm.s32 $0x0  }
0x10: {  	[tilespmem:s6], [sflag:$0x1] =	stream.linear.gather [hbm4b:s3+s9], $0x2710, $0x38;
	[tilespmem:$0x4F00] =	vst v63  }
0x11: {  	_ =	swait.ge [sflag:s7], $0x2710  }
0x12: {  	[sflag:s7] =	ssyncset.done $0x0  }
0x13: {  	s10 =	simm.s32 $0x0;
	s9 =	simm.s32 $0x40;
	[sflag:s7] =	ssyncadd.s32 $0xFFFFD8F0  }
.LBB2_4:
0x14: {  	p0 =	sne.s32 s9, $0x9C00;
	v2 =	vld [tilespmem:s10+$0x2780];
	_ =	sdelay $0x3  }
.Ltmp1:
0x15: {  	(pc) =	sbr.rel @p0 .LBB2_4-.Ltmp1, $2  }
0x16: {  	_ =	sdelay $0x2  }
0x17: {  	s10 =	sshra.s32 s9, $0x2;
	s9 =	sadd.s32 $0x40, s9;
	[tilespmem:v2+s2+$0x0] =	vst.idx.add.f32.msk $0xffff, v1  }
0x18: {  	v2 =	vld [tilespmem:s10+$0x2780];
	_ =	sdelay $0x5  }
0x19: {  	s8 =	sadd.s32 $0x1, s8  }
0x1a: {  	p0 =	sne.s32 s8, s5  }
.Ltmp2:
0x1b: {  	[tilespmem:v2+s2+$0x0] =	vst.idx.add.f32.msk $0xffff, v1;
	(pc) =	sbr.rel @p0 .LBB2_1-.Ltmp2, $4  }
0x1c: {  	[hbm4b:s4+s2] =	stream.linear.scatter [tilespmem:s2], [sflag:$0x1], $0x2780, $0x38;
	[tilespmem:$0x4F00] =	vst v63  }
0x1d: {  	_ =	swait.ge [sflag:s7], $0x2780  }
0x1e: {  	[sflag:s7] =	ssyncset.done $0x0  }
0x1f: {  	[sflag:s7] =	ssyncadd.s32 $0xFFFFD880  }
0x20: {  	_ =	sfence.sel $0x180000  }
0x21: {  	[bflag:$0x0] =	sbarrier.arrive $0xFFFF  }
0x22: {  	p0 =	sne.s32 s0, $0x0;
	_ =	strace $0x90000047  }
0x23: {  	s0 =	sadd.s32 @!p0 $0x100000, s1;
	[bflag:$0x2] =	sbarrier.arrive $0xFFFF  }
0x24: {  	[sflag:s0] =	ssyncadd.tile.s32 @!p0 $0x1;
	_ =	shalt  }
.Lfunc_end2:
_tile_overlayer_lowered:
.L_overlay_start_2:
0x25: {  	(tag) =	ssettag $0x2  }
0x26: {  	s0 =	rddreg [dreg:$0x0];
	s2 =	stileid.u32  }
0x27: {  	s1 =	rddreg [dreg:$0x1];
	p0 =	sne.s32 s2, $0x0  }
0x28: {  	s3 =	rddreg [dreg:$0x2];
	[bflag:$0x3] =	sbarrier.arrive $0xFFFF;
	s2 =	simm.s32 @!p0 $0x1C01  }
0x29: {  	[timem:s3], [sflag:s2] =	dma.local @!p0 [hbm:s0], s1  }
0x2a: {  	s0 =	simm.s32 @!p0 $0x1  }
0x2b: {  	_ =	swait.ge @!p0 [sflag:s0], s1  }
0x2c: {  	s1 =	ssub.s32 @!p0 $0x0, s1;
	[sflag:s0] =	ssyncset.done @!p0 $0x0  }
0x2d: {  	[sflag:s0] =	ssyncadd.s32 @!p0 s1  }
0x2e: {  	[bflag:$0x3] =	sbarrier.arrive $0xFFFF  }
0x2f: {  	_ =	shalt  }

</sc_bundles>
